<compile_context>
chip_gen: v7x
topology: tpu7x:2x2x1
jax: 0.10.2.dev20260603
libtpu: 0.0.44.dev20260713+nightly
codegen_flags: <defaults>
</compile_context>

<pallas_src>
import functools
import jax
import jax.numpy as jnp
from jax import lax
from jax.experimental import pallas as pl
from jax.experimental.pallas import tpu as pltpu
from jax.experimental.pallas import tpu_sc as plsc

KNN = 32
_BIG = 3.0e38

def _sc_gather_kernel(tab_hbm, gidx_hbm, feat_hbm, idxv, rows, sem):
    step = 128
    nstep = (128 * 1024) // (32 * step)
    wid = lax.axis_index("c") * 16 + lax.axis_index("s")
    base = wid * step * nstep

    def body(j, _c):
        o = base + j * step
        pltpu.sync_copy(gidx_hbm.at[pl.ds(o, step)], idxv)
        pltpu.async_copy(tab_hbm.at[idxv], rows, sem).wait()
        pltpu.sync_copy(rows, feat_hbm.at[pl.ds(o, step)])
        return 0

    lax.fori_loop(0, nstep, body, 0)


def _sc_gather(tab, gidx):
    BN, C = tab.shape
    M = gidx.shape[0]
    run = functools.partial(
        pl.kernel,
        out_type=jax.ShapeDtypeStruct((M, C), jnp.float32),
        mesh=plsc.VectorSubcoreMesh(core_axis_name="c", subcore_axis_name="s"),
        scratch_types=[
            pltpu.VMEM((128,), jnp.int32),
            pltpu.VMEM((128, C), jnp.float32),
            pltpu.SemaphoreType.DMA,
        ],
    )(_sc_gather_kernel)
    return run(tab, gidx)


def _lrelu(x):
    return jnp.where(x >= 0, x, 0.2 * x)


def _d2_kernel(xt_ref, d2_ref):
    xt = xt_ref[0]
    sq = jnp.sum(xt * xt, axis=-1)
    g = jax.lax.dot_general(xt, xt, (((1,), (1,)), ((), ())),
                            preferred_element_type=jnp.float32)
    d2 = sq[:, None] + sq[None, :] - 2.0 * g
    d2_ref[0] = -jnp.sqrt(jnp.clip(d2, 1e-12, None))


def _pallas_d2(xt):
    B, N, C = xt.shape
    return pl.pallas_call(
        _d2_kernel,
        grid=(B,),
        in_specs=[pl.BlockSpec((1, N, C), lambda b: (b, 0, 0))],
        out_specs=pl.BlockSpec((1, N, N), lambda b: (b, 0, 0)),
        out_shape=jax.ShapeDtypeStruct((B, N, N), jnp.float32),
    )(xt)


def _edge_kernel(wa_ref, wb_ref, feat_ref, h_ref, zmax_ref, s1_ref, s2_ref):
    NC = 128
    feat = feat_ref[0]
    hb = h_ref[0]
    xc = jnp.repeat(jnp.transpose(hb), KNN, axis=0)
    zn = jax.lax.dot_general(
        wa_ref[...], feat - xc, (((1,), (1,)), ((), ())),
        preferred_element_type=jnp.float32)
    zc = jax.lax.dot_general(
        wb_ref[...], hb, (((1,), (0,)), ((), ())),
        preferred_element_type=jnp.float32)
    z = zn + jnp.repeat(zc, KNN, axis=1)
    O = z.shape[0]
    zmax_ref[0] = jnp.max(z.reshape(O, NC, KNN), axis=2)
    s1_ref[0, 0, 0] = jnp.sum(z, axis=1)
    s2_ref[0, 0, 0] = jnp.sum(z * z, axis=1)


def _pallas_edge(W, feat, h):
    B, C, N = h.shape
    O = W.shape[0]
    NC = 128
    G = N // NC
    Wa = W[:, :C]
    Wb = W[:, C:]
    return pl.pallas_call(
        _edge_kernel,
        grid=(B, G),
        in_specs=[
            pl.BlockSpec((O, C), lambda b, g: (0, 0)),
            pl.BlockSpec((O, C), lambda b, g: (0, 0)),
            pl.BlockSpec((1, NC * KNN, C), lambda b, g: (b, g, 0)),
            pl.BlockSpec((1, C, NC), lambda b, g: (b, 0, g)),
        ],
        out_specs=[
            pl.BlockSpec((1, O, NC), lambda b, g: (b, 0, g)),
            pl.BlockSpec((1, 1, 1, O), lambda b, g: (b, g, 0, 0)),
            pl.BlockSpec((1, 1, 1, O), lambda b, g: (b, g, 0, 0)),
        ],
        out_shape=[
            jax.ShapeDtypeStruct((B, O, N), jnp.float32),
            jax.ShapeDtypeStruct((B, G, 1, O), jnp.float32),
            jax.ShapeDtypeStruct((B, G, 1, O), jnp.float32),
        ],
    )(Wa, Wb, feat, h)


def _edge_layer(h, W):
    B, C, N = h.shape
    xt = jnp.transpose(h, (0, 2, 1))
    ndist = _pallas_d2(xt)
    _, idx = jax.lax.top_k(ndist, KNN + 1)
    idx = idx[:, :, 1:]
    gidx = (idx + (jnp.arange(B) * N)[:, None, None]).reshape(-1)

    xt2 = xt.reshape(B * N, C)
    if C % 128 == 0:
        feat = _sc_gather(xt2, gidx).reshape(B, N * KNN, C)
    else:
        feat = xt2[gidx].reshape(B, N * KNN, C)
    zmax, s1, s2 = _pallas_edge(W, feat, h)
    cnt = N * KNN
    mean = jnp.sum(s1, axis=(1, 2)) / cnt
    ez2 = jnp.sum(s2, axis=(1, 2)) / cnt
    var = ez2 - mean * mean
    hn = _lrelu((zmax - mean[:, :, None]) / jnp.sqrt(var[:, :, None] + 1e-5))
    return hn


def _tail_kernel(xcat_ref, wh_ref, fc1w_ref, fc1b_ref, fc2w_ref, fc2b_ref,
                 out_ref):
    xcat = xcat_ref[0]
    z = jnp.dot(wh_ref[...], xcat, preferred_element_type=jnp.float32)
    m = jnp.mean(z, axis=1, keepdims=True)
    v = jnp.mean((z - m) ** 2, axis=1, keepdims=True)
    zn = _lrelu((z - m) / jnp.sqrt(v + 1e-5))
    g = jnp.max(zn, axis=1, keepdims=True)
    y1 = jnp.dot(fc1w_ref[...], g, preferred_element_type=jnp.float32)
    y1 = y1 + fc1b_ref[...].reshape(-1, 1)
    m1 = jnp.mean(y1)
    v1 = jnp.mean((y1 - m1) ** 2)
    y1 = _lrelu((y1 - m1) / jnp.sqrt(v1 + 1e-5))
    y2 = jnp.dot(fc2w_ref[...], y1, preferred_element_type=jnp.float32)
    y2 = y2 + fc2b_ref[...].reshape(-1, 1)
    out_ref[...] = y2.reshape(1, 1, -1)


def kernel(x, n, W0, W1, W2, W3, Wh, fc1_w, fc1_b, fc2_w, fc2_b):
    del n
    B, N, _ = x.shape
    h = jnp.transpose(x, (0, 2, 1))
    res = []
    for W in (W0, W1, W2, W3):
        h = _edge_layer(h, W)
        res.append(h)
    xcat = jnp.concatenate(res, axis=1)

    E = Wh.shape[0]
    tail = pl.pallas_call(
        _tail_kernel,
        grid=(B,),
        in_specs=[
            pl.BlockSpec((1, xcat.shape[1], N), lambda b: (b, 0, 0)),
            pl.BlockSpec(Wh.shape, lambda b: (0, 0)),
            pl.BlockSpec(fc1_w.shape, lambda b: (0, 0)),
            pl.BlockSpec(fc1_b.shape, lambda b: (0,)),
            pl.BlockSpec(fc2_w.shape, lambda b: (0, 0)),
            pl.BlockSpec(fc2_b.shape, lambda b: (0,)),
        ],
        out_specs=pl.BlockSpec((1, 1, E), lambda b: (b, 0, 0)),
        out_shape=jax.ShapeDtypeStruct((B, 1, E), jnp.float32),
    )
    return tail(xcat, Wh, fc1_w, fc1_b, fc2_w, fc2_b).reshape(B, E)

# --- scband reference (transcript-rebuilt; emitter-appended) ---
"""Pipeline reference for scband-dgcnnencoder-37263136260292 (READ-ONLY COPY).

The authoritative reference and input builder live on the scoring server;
editing this copy changes nothing except your own understanding.
"""

import jax, jax.numpy as jnp
import numpy as np

K = 32


def _knn(x, k):
    # x: [B, C, N]
    xt = jnp.transpose(x, (0, 2, 1))  # [B, N, C]
    sq = jnp.sum(xt * xt, axis=-1)
    d2 = sq[:, :, None] + sq[:, None, :] - 2.0 * jnp.einsum('bnc,bmc->bnm', xt, xt)
    dist = jnp.sqrt(jnp.clip(d2, 1e-12, None))  # euclidean cdist (eps-clipped for stability)
    _, idx = jax.lax.top_k(-dist, k + 1)  # smallest k+1 distances
    return idx[:, :, 1:]


def _graph_feature(x, k):
    # x: [B, C, N] -> [B, 2C, N, k]
    B, C, N = x.shape
    idx = _knn(x, k)  # [B, N, k]
    xt = jnp.transpose(x, (0, 2, 1)).reshape(B * N, C)
    gidx = (idx + (jnp.arange(B) * N)[:, None, None]).reshape(-1)
    feat = xt[gidx].reshape(B, N, k, C)
    xc = xt.reshape(B, N, 1, C)
    out = jnp.concatenate([feat - xc, jnp.broadcast_to(xc, (B, N, k, C))], axis=3)
    return jnp.transpose(out, (0, 3, 1, 2))


def _inorm(x, axes):
    m = jnp.mean(x, axis=axes, keepdims=True)
    v = jnp.var(x, axis=axes, keepdims=True)
    return (x - m) / jnp.sqrt(v + 1e-5)


def _lrelu(x):
    return jnp.where(x >= 0, x, 0.2 * x)


def setup_inputs(seed: int = 0) -> dict:
    key = jax.random.key(seed)
    ks = jax.random.split(key, 12)
    B, N = 4, 1024
    hidden = [32, 64, 128, 256]
    encod = 128
    x = jax.random.normal(ks[0], (B, N, 3), dtype=jnp.float32)
    n = jax.random.normal(ks[1], (B, N, 3), dtype=jnp.float32)
    def w(k_, o, i):
        return jax.random.normal(k_, (o, i), dtype=jnp.float32) * (1.0 / np.sqrt(i))
    W0 = w(ks[2], hidden[0], 6)
    W1 = w(ks[3], hidden[1], hidden[0] * 2)
    W2 = w(ks[4], hidden[2], hidden[1] * 2)
    W3 = w(ks[5], hidden[3], hidden[2] * 2)
    Wh = w(ks[6], encod, sum(hidden))
    fc1_w = w(ks[7], encod, encod)
    fc1_b = jax.random.normal(ks[8], (encod,), dtype=jnp.float32) * 0.01
    fc2_w = w(ks[9], encod, encod)
    fc2_b = jax.random.normal(ks[10], (encod,), dtype=jnp.float32) * 0.01
    return {"x": x, "n": n, "W0": W0, "W1": W1, "W2": W2, "W3": W3, "Wh": Wh,
            "fc1_w": fc1_w, "fc1_b": fc1_b, "fc2_w": fc2_w, "fc2_b": fc2_b}


def reference(x, n, W0, W1, W2, W3, Wh, fc1_w, fc1_b, fc2_w, fc2_b):
    # include_normals=False -> normals branch unused; dropout in eval mode (identity)
    h = jnp.transpose(x, (0, 2, 1))  # [B, 3, N]
    res = []
    for W in (W0, W1, W2, W3):
        f = _graph_feature(h, K)  # [B, 2C, N, k]
        z = jnp.einsum('oc,bcnk->bonk', W, f)  # 1x1 conv2d, no bias
        z = _lrelu(_inorm(z, (2, 3)))  # InstanceNorm2d + LeakyReLU(0.2)
        h = jnp.max(z, axis=-1)  # max over k -> [B, C_out, N]
        res.append(h)
    xcat = jnp.concatenate(res, axis=1)  # [B, 480, N]
    z = jnp.einsum('oc,bcn->bon', Wh, xcat)  # 1x1 conv1d
    z = _lrelu(_inorm(z, (2,)))  # InstanceNorm1d + LeakyReLU; dropout identity
    g = jnp.max(z, axis=-1)  # adaptive_max_pool1d(., 1) -> [B, encod_dim]
    y = g @ fc1_w.T + fc1_b
    # InstanceNorm1d on a 2D tensor [B, D]: treated as (C, L), normalized over last dim
    y = _lrelu(_inorm(y, (1,)))
    y = y @ fc2_w.T + fc2_b
    return y

if __name__ == "__main__":
    import jax
    _d = setup_inputs()
    print(jax.jit(kernel)(*tuple(_d.values())))

</pallas_src>

<mosaic_0001>
#map = affine_map<(d0, d1) -> (0, 0)>
#map1 = affine_map<(d0, d1) -> (0)>
module attributes {stable_mosaic.version = 14 : i64} {
  func.func @_sc_gather_kernel(%arg0: i32, %arg1: i32, %arg2: memref<4096x128xf32, #tpu.memory_space<hbm>>, %arg3: memref<131072xi32, #tpu.memory_space<hbm>>, %arg4: memref<131072x128xf32, #tpu.memory_space<hbm>>, %arg5: memref<128xi32, #tpu.memory_space<vmem>>, %arg6: memref<128x128xf32, #tpu.memory_space<vmem>>, %arg7: memref<!tpu.dma_semaphore, #tpu.memory_space<semaphore_mem>>) attributes {dimension_semantics = [#tpu.dimension_semantics<core_parallel>, #tpu.dimension_semantics<subcore_parallel>], iteration_bounds = array<i64: 2, 16>, scalar_prefetch = 0 : i64, scratch_operands = 3 : i64, tpu.core_type = #tpu.core_type<sc_vector_subcore>, window_params = [{transform_indices = #map}, {transform_indices = #map1}, {transform_indices = #map}]} {
    %mul3A = arith.constant 16 : i32
    %mul3A_0 = arith.muli %arg0, %mul3A : i32
    %add3A = arith.addi %mul3A_0, %arg1 : i32
    %mul3A_1 = arith.constant 128 : i32
    %mul3A_2 = arith.muli %add3A, %mul3A_1 : i32
    %mul3A_3 = arith.constant 32 : i32
    %mul3A_4 = arith.muli %mul3A_2, %mul3A_3 : i32
    %scan3A = arith.constant 0 : i32
    %scan3A_5 = arith.constant 0 : i32
    %scan3A_6 = arith.constant 32 : i32
    %scan3A_7 = arith.addi %scan3A_5, %scan3A_6 : i32
    %scan3A_8 = arith.constant 1 : i32
    %scan3A_9 = scf.for %scan3A_11 = %scan3A_5 to %scan3A_7 step %scan3A_8 iter_args(%scan3A_12 = %scan3A) -> (i32)  : i32 {
      %mul3A_13 = arith.constant 128 : i32
      %mul3A_14 = arith.muli %scan3A_11, %mul3A_13 : i32
      %add3A_15 = arith.addi %mul3A_4, %mul3A_14 : i32
      "tpu.region"() ({
        %run_scoped3A = tpu.sem_alloc : memref<!tpu.dma_semaphore, #tpu.memory_space<semaphore_mem>>
        %dma_start3A_21 = tpu.memref_slice %arg3[%add3A_15] : memref<131072xi32, #tpu.memory_space<hbm>> -> memref<128xi32, #tpu.memory_space<hbm>>
        %dma_start3A_22 = tpu.memref_slice %arg3[%add3A_15] : memref<131072xi32, #tpu.memory_space<hbm>> -> memref<128xi32, #tpu.memory_space<hbm>>
        tpu.enqueue_dma source(%dma_start3A_22 : memref<128xi32, #tpu.memory_space<hbm>>) target(%arg5 : memref<128xi32, #tpu.memory_space<vmem>>) target_semaphore(%run_scoped3A : memref<!tpu.dma_semaphore, #tpu.memory_space<semaphore_mem>>)
        %dma_wait3A_23 = tpu.memref_slice %arg3[%add3A_15] : memref<131072xi32, #tpu.memory_space<hbm>> -> memref<128xi32, #tpu.memory_space<hbm>>
        %dma_wait3A_24 = tpu.memref_slice %arg3[%add3A_15] : memref<131072xi32, #tpu.memory_space<hbm>> -> memref<128xi32, #tpu.memory_space<hbm>>
        tpu.wait_dma2 semaphore(%run_scoped3A : memref<!tpu.dma_semaphore, #tpu.memory_space<semaphore_mem>>) src(%dma_wait3A_24 : memref<128xi32, #tpu.memory_space<hbm>>) dst(%arg5 : memref<128xi32, #tpu.memory_space<vmem>>)
        tpu.yield
      }) : () -> ()
      %dma_start3A = arith.constant 0 : i32
      %dma_start3A_16 = arith.constant 0 : i32
      %dma_start3A_17 = tpu.memref_slice %arg2[%dma_start3A, %dma_start3A_16] : memref<4096x128xf32, #tpu.memory_space<hbm>> -> memref<4096x128xf32, #tpu.memory_space<hbm>>
      tpu.enqueue_indirect_dma source(%dma_start3A_17 : memref<4096x128xf32, #tpu.memory_space<hbm>>) target(%arg6 : memref<128x128xf32, #tpu.memory_space<vmem>>) offsets(%arg5 : memref<128xi32, #tpu.memory_space<vmem>>) semaphore(%arg7 : memref<!tpu.dma_semaphore, #tpu.memory_space<semaphore_mem>>)
      %dma_wait3A = arith.constant 0 : i32
      %dma_wait3A_18 = arith.constant 0 : i32
      %dma_wait3A_19 = tpu.memref_slice %arg2[%dma_wait3A, %dma_wait3A_18] : memref<4096x128xf32, #tpu.memory_space<hbm>> -> memref<4096x128xf32, #tpu.memory_space<hbm>>
      tpu.wait_indirect_dma semaphore(%arg7 : memref<!tpu.dma_semaphore, #tpu.memory_space<semaphore_mem>>) src(%dma_wait3A_19 : memref<4096x128xf32, #tpu.memory_space<hbm>>) dst(%arg6 : memref<128x128xf32, #tpu.memory_space<vmem>>)
      "tpu.region"() ({
        %run_scoped3A = tpu.sem_alloc : memref<!tpu.dma_semaphore, #tpu.memory_space<semaphore_mem>>
        %dma_start3A_21 = arith.constant 0 : i32
        %dma_start3A_22 = tpu.memref_slice %arg4[%add3A_15, %dma_start3A_21] : memref<131072x128xf32, #tpu.memory_space<hbm>> -> memref<128x128xf32, #tpu.memory_space<hbm>>
        %dma_start3A_23 = arith.constant 0 : i32
        %dma_start3A_24 = tpu.memref_slice %arg4[%add3A_15, %dma_start3A_23] : memref<131072x128xf32, #tpu.memory_space<hbm>> -> memref<128x128xf32, #tpu.memory_space<hbm>>
        tpu.enqueue_dma source(%arg6 : memref<128x128xf32, #tpu.memory_space<vmem>>) target(%dma_start3A_24 : memref<128x128xf32, #tpu.memory_space<hbm>>) target_semaphore(%run_scoped3A : memref<!tpu.dma_semaphore, #tpu.memory_space<semaphore_mem>>)
        %dma_wait3A_25 = arith.constant 0 : i32
        %dma_wait3A_26 = tpu.memref_slice %arg4[%add3A_15, %dma_wait3A_25] : memref<131072x128xf32, #tpu.memory_space<hbm>> -> memref<128x128xf32, #tpu.memory_space<hbm>>
        %dma_wait3A_27 = arith.constant 0 : i32
        %dma_wait3A_28 = tpu.memref_slice %arg4[%add3A_15, %dma_wait3A_27] : memref<131072x128xf32, #tpu.memory_space<hbm>> -> memref<128x128xf32, #tpu.memory_space<hbm>>
        tpu.wait_dma2 semaphore(%run_scoped3A : memref<!tpu.dma_semaphore, #tpu.memory_space<semaphore_mem>>) src(%arg6 : memref<128x128xf32, #tpu.memory_space<vmem>>) dst(%dma_wait3A_28 : memref<128x128xf32, #tpu.memory_space<hbm>>)
        tpu.yield
      }) : () -> ()
      %scan3A_20 = arith.constant 0 : i32
      scf.yield %scan3A_20 : i32
    }
    %scan3A_10 = arith.constant 32 : i32
    return
  }
}

module attributes {stable_mosaic.version = 14 : i64} {
  func.func @_d2_kernel(%arg0: i32, %arg1: memref<1x1024x3xf32, #tpu.memory_space<vmem>>, %arg2: memref<1x1024x1024xf32, #tpu.memory_space<vmem>>) attributes {dimension_semantics = [#tpu.dimension_semantics<arbitrary>], iteration_bounds = array<i64: 4>, scalar_prefetch = 0 : i64, scratch_operands = 0 : i64, tpu.core_type = #tpu.core_type<tc>, window_params = [{transform_indices = @transform_0, window_bounds = array<i64: 1, 1024, 3>}, {transform_indices = @transform_1, window_bounds = array<i64: 1, 1024, 1024>}]} {
    %get3A = arith.constant 0 : index
    %get3A_0 = arith.constant 0 : index
    %get3A_1 = arith.constant 0 : index
    %get3A_2 = vector.load %arg1[%get3A, %get3A_0, %get3A_1] : memref<1x1024x3xf32, #tpu.memory_space<vmem>>, vector<1x1024x3xf32>
    %get3A_3 = vector.shape_cast %get3A_2 : vector<1x1024x3xf32> to vector<1024x3xf32>
    %mul3A = arith.mulf %get3A_3, %get3A_3 : vector<1024x3xf32>
    %reduce_sum3A = arith.constant dense<0.000000e+00> : vector<1024xf32>
    %reduce_sum3A_4 = vector.multi_reduction <add>, %mul3A, %reduce_sum3A [1] : vector<1024x3xf32> to vector<1024xf32>
    %dot_general3A = arith.constant dense<0.000000e+00> : vector<1024x1024xf32>
    %dot_general3A_5 = tpu.matmul %get3A_3, %get3A_3, %dot_general3A {dimension_numbers = #tpu.dot_dimension_numbers<[1], [1], [0], [0], [0, 0, 1, 0], [], []>, transpose_lhs_hint = false} : vector<1024x3xf32>, vector<1024x3xf32>, vector<1024x1024xf32> -> vector<1024x1024xf32>
    %broadcast_in_dim3A = vector.shape_cast %reduce_sum3A_4 : vector<1024xf32> to vector<1024x1xf32>
    %broadcast_in_dim3A_6 = vector.shape_cast %reduce_sum3A_4 : vector<1024xf32> to vector<1x1024xf32>
    %add3A = vector.broadcast %broadcast_in_dim3A : vector<1024x1xf32> to vector<1024x1024xf32>
    %add3A_7 = vector.broadcast %broadcast_in_dim3A_6 : vector<1x1024xf32> to vector<1024x1024xf32>
    %add3A_8 = arith.addf %add3A, %add3A_7 : vector<1024x1024xf32>
    %mul3A_9 = arith.constant 2.000000e+00 : f32
    %mul3A_10 = vector.broadcast %mul3A_9 : f32 to vector<1024x1024xf32>
    %mul3A_11 = arith.mulf %mul3A_10, %dot_general3A_5 : vector<1024x1024xf32>
    %sub3A = arith.subf %add3A_8, %mul3A_11 : vector<1024x1024xf32>
    %jit3A = arith.constant 9.99999996E-13 : f32
    %max3A = vector.broadcast %jit3A : f32 to vector<1024x1024xf32>
    %max3A_12 = arith.maximumf %max3A, %sub3A : vector<1024x1024xf32>
    %sqrt3A = math.sqrt %max3A_12 : vector<1024x1024xf32>
    %neg3A = arith.constant 0.000000e+00 : f32
    %neg3A_13 = vector.broadcast %neg3A : f32 to vector<1024x1024xf32>
    %neg3A_14 = arith.subf %neg3A_13, %sqrt3A : vector<1024x1024xf32>
    %swap3A = arith.constant 0 : index
    %swap3A_15 = arith.constant 0 : index
    %swap3A_16 = arith.constant 0 : index
    %swap3A_17 = vector.load %arg2[%swap3A, %swap3A_15, %swap3A_16] : memref<1x1024x1024xf32, #tpu.memory_space<vmem>>, vector<1x1024x1024xf32>
    %swap3A_18 = vector.shape_cast %swap3A_17 : vector<1x1024x1024xf32> to vector<1024x1024xf32>
    %swap3A_19 = vector.shape_cast %neg3A_14 : vector<1024x1024xf32> to vector<1x1024x1024xf32>
    tpu.vector_store %arg2[%swap3A, %swap3A_15, %swap3A_16], %swap3A_19 {strides = array<i32>} : memref<1x1024x1024xf32, #tpu.memory_space<vmem>>, vector<1x1024x1024xf32>,
    return
  }
  func.func @transform_0(%arg0: i32) -> (i32, i32, i32) {
    %c0_i32 = arith.constant 0 : i32
    %c0_i32_0 = arith.constant 0 : i32
    %c0_i32_1 = arith.constant 0 : i32
    return %arg0, %c0_i32, %c0_i32_0 : i32, i32, i32
  }
  func.func @transform_1(%arg0: i32) -> (i32, i32, i32) {
    %c0_i32 = arith.constant 0 : i32
    %c0_i32_0 = arith.constant 0 : i32
    %c0_i32_1 = arith.constant 0 : i32
    return %arg0, %c0_i32, %c0_i32_0 : i32, i32, i32
  }
}

module attributes {stable_mosaic.version = 14 : i64} {
  func.func @_edge_kernel(%arg0: i32, %arg1: i32, %arg2: memref<32x3xf32, #tpu.memory_space<vmem>>, %arg3: memref<32x3xf32, #tpu.memory_space<vmem>>, %arg4: memref<1x4096x3xf32, #tpu.memory_space<vmem>>, %arg5: memref<1x3x128xf32, #tpu.memory_space<vmem>>, %arg6: memref<1x32x128xf32, #tpu.memory_space<vmem>>, %arg7: memref<1x1x1x32xf32, #tpu.memory_space<vmem>>, %arg8: memref<1x1x1x32xf32, #tpu.memory_space<vmem>>) attributes {dimension_semantics = [#tpu.dimension_semantics<arbitrary>, #tpu.dimension_semantics<arbitrary>], iteration_bounds = array<i64: 4, 8>, scalar_prefetch = 0 : i64, scratch_operands = 0 : i64, tpu.core_type = #tpu.core_type<tc>, window_params = [{pipeline_mode = #tpu.pipeline_mode<synchronous>, transform_indices = @transform_0, window_bounds = array<i64: 32, 3>}, {pipeline_mode = #tpu.pipeline_mode<synchronous>, transform_indices = @transform_1, window_bounds = array<i64: 32, 3>}, {transform_indices = @transform_2, window_bounds = array<i64: 1, 4096, 3>}, {transform_indices = @transform_3, window_bounds = array<i64: 1, 3, 128>}, {transform_indices = @transform_4, window_bounds = array<i64: 1, 32, 128>}, {transform_indices = @transform_5, window_bounds = array<i64: 1, 1, 1, 32>}, {transform_indices = @transform_6, window_bounds = array<i64: 1, 1, 1, 32>}]} {
    %get3A = arith.constant 0 : index
    %get3A_0 = arith.constant 0 : index
    %get3A_1 = arith.constant 0 : index
    %get3A_2 = vector.load %arg4[%get3A, %get3A_0, %get3A_1] : memref<1x4096x3xf32, #tpu.memory_space<vmem>>, vector<1x4096x3xf32>
    %get3A_3 = vector.shape_cast %get3A_2 : vector<1x4096x3xf32> to vector<4096x3xf32>
    %get3A_4 = arith.constant 0 : index
    %get3A_5 = arith.constant 0 : index
    %get3A_6 = arith.constant 0 : index
    %get3A_7 = vector.load %arg5[%get3A_4, %get3A_5, %get3A_6] : memref<1x3x128xf32, #tpu.memory_space<vmem>>, vector<1x3x128xf32>
    %get3A_8 = vector.shape_cast %get3A_7 : vector<1x3x128xf32> to vector<3x128xf32>
    %transpose3A = tpu.transpose %get3A_8, [1, 0] : vector<3x128xf32> -> vector<128x3xf32>
    %broadcast_in_dim3A = vector.shape_cast %transpose3A : vector<128x3xf32> to vector<128x1x3xf32>
    %broadcast_in_dim3A_9 = vector.broadcast %broadcast_in_dim3A : vector<128x1x3xf32> to vector<128x32x3xf32>
    %reshape3A = vector.shape_cast %broadcast_in_dim3A_9 : vector<128x32x3xf32> to vector<4096x3xf32>
    %get3A_10 = arith.constant 0 : index
    %get3A_11 = arith.constant 0 : index
    %get3A_12 = vector.load %arg2[%get3A_10, %get3A_11] : memref<32x3xf32, #tpu.memory_space<vmem>>, vector<32x3xf32>
    %sub3A = arith.subf %get3A_3, %reshape3A : vector<4096x3xf32>
    %dot_general3A = arith.constant dense<0.000000e+00> : vector<32x4096xf32>
    %dot_general3A_13 = tpu.matmul %get3A_12, %sub3A, %dot_general3A {dimension_numbers = #tpu.dot_dimension_numbers<[1], [1], [0], [0], [0, 0, 1, 0], [], []>, transpose_lhs_hint = false} : vector<32x3xf32>, vector<4096x3xf32>, vector<32x4096xf32> -> vector<32x4096xf32>
    %get3A_14 = arith.constant 0 : index
    %get3A_15 = arith.constant 0 : index
    %get3A_16 = vector.load %arg3[%get3A_14, %get3A_15] : memref<32x3xf32, #tpu.memory_space<vmem>>, vector<32x3xf32>
    %dot_general3A_17 = arith.constant dense<0.000000e+00> : vector<32x128xf32>
    %dot_general3A_18 = tpu.matmul %get3A_16, %get3A_8, %dot_general3A_17 {dimension_numbers = #tpu.dot_dimension_numbers<[1], [0], [0], [1], [0, 0, 1, 1], [], []>, transpose_lhs_hint = false} : vector<32x3xf32>, vector<3x128xf32>, vector<32x128xf32> -> vector<32x128xf32>
    %broadcast_in_dim3A_19 = vector.shape_cast %dot_general3A_18 : vector<32x128xf32> to vector<32x128x1xf32>
    %broadcast_in_dim3A_20 = vector.broadcast %broadcast_in_dim3A_19 : vector<32x128x1xf32> to vector<32x128x32xf32>
    %reshape3A_21 = vector.shape_cast %broadcast_in_dim3A_20 : vector<32x128x32xf32> to vector<32x4096xf32>
    %add3A = arith.addf %dot_general3A_13, %reshape3A_21 : vector<32x4096xf32>
    %reshape3A_22 = vector.shape_cast %add3A : vector<32x4096xf32> to vector<32x128x32xf32>
    %reduce_max3A = arith.constant dense<0xFF800000> : vector<32x128xf32>
    %reduce_max3A_23 = vector.multi_reduction <maximumf>, %reshape3A_22, %reduce_max3A [2] : vector<32x128x32xf32> to vector<32x128xf32>
    %swap3A = arith.constant 0 : index
    %swap3A_24 = arith.constant 0 : index
    %swap3A_25 = arith.constant 0 : index
    %swap3A_26 = vector.load %arg6[%swap3A, %swap3A_24, %swap3A_25] : memref<1x32x128xf32, #tpu.memory_space<vmem>>, vector<1x32x128xf32>
    %swap3A_27 = vector.shape_cast %swap3A_26 : vector<1x32x128xf32> to vector<32x128xf32>
    %swap3A_28 = vector.shape_cast %reduce_max3A_23 : vector<32x128xf32> to vector<1x32x128xf32>
    tpu.vector_store %arg6[%swap3A, %swap3A_24, %swap3A_25], %swap3A_28 {strides = array<i32>} : memref<1x32x128xf32, #tpu.memory_space<vmem>>, vector<1x32x128xf32>,
    %reduce_sum3A = arith.constant dense<0.000000e+00> : vector<32xf32>
    %reduce_sum3A_29 = vector.multi_reduction <add>, %add3A, %reduce_sum3A [1] : vector<32x4096xf32> to vector<32xf32>
    %swap3A_30 = arith.constant 0 : index
    %swap3A_31 = arith.constant 0 : index
    %swap3A_32 = arith.constant 0 : index
    %swap3A_33 = arith.constant 0 : index
    %swap3A_34 = vector.load %arg7[%swap3A_30, %swap3A_31, %swap3A_32, %swap3A_33] : memref<1x1x1x32xf32, #tpu.memory_space<vmem>>, vector<1x1x1x32xf32>
    %swap3A_35 = vector.shape_cast %swap3A_34 : vector<1x1x1x32xf32> to vector<32xf32>
    %swap3A_36 = vector.shape_cast %reduce_sum3A_29 : vector<32xf32> to vector<1x1x1x32xf32>
    tpu.vector_store %arg7[%swap3A_30, %swap3A_31, %swap3A_32, %swap3A_33], %swap3A_36 {strides = array<i32>} : memref<1x1x1x32xf32, #tpu.memory_space<vmem>>, vector<1x1x1x32xf32>,
    %mul3A = arith.mulf %add3A, %add3A : vector<32x4096xf32>
    %reduce_sum3A_37 = arith.constant dense<0.000000e+00> : vector<32xf32>
    %reduce_sum3A_38 = vector.multi_reduction <add>, %mul3A, %reduce_sum3A_37 [1] : vector<32x4096xf32> to vector<32xf32>
    %swap3A_39 = arith.constant 0 : index
    %swap3A_40 = arith.constant 0 : index
    %swap3A_41 = arith.constant 0 : index
    %swap3A_42 = arith.constant 0 : index
    %swap3A_43 = vector.load %arg8[%swap3A_39, %swap3A_40, %swap3A_41, %swap3A_42] : memref<1x1x1x32xf32, #tpu.memory_space<vmem>>, vector<1x1x1x32xf32>
    %swap3A_44 = vector.shape_cast %swap3A_43 : vector<1x1x1x32xf32> to vector<32xf32>
    %swap3A_45 = vector.shape_cast %reduce_sum3A_38 : vector<32xf32> to vector<1x1x1x32xf32>
    tpu.vector_store %arg8[%swap3A_39, %swap3A_40, %swap3A_41, %swap3A_42], %swap3A_45 {strides = array<i32>} : memref<1x1x1x32xf32, #tpu.memory_space<vmem>>, vector<1x1x1x32xf32>,
    return
  }
  func.func @transform_0(%arg0: i32, %arg1: i32) -> (i32, i32) {
    %c0_i32 = arith.constant 0 : i32
    %c0_i32_0 = arith.constant 0 : i32
    %c0_i32_1 = arith.constant 0 : i32
    return %c0_i32, %c0_i32_0 : i32, i32
  }
  func.func @transform_1(%arg0: i32, %arg1: i32) -> (i32, i32) {
    %c0_i32 = arith.constant 0 : i32
    %c0_i32_0 = arith.constant 0 : i32
    %c0_i32_1 = arith.constant 0 : i32
    return %c0_i32, %c0_i32_0 : i32, i32
  }
  func.func @transform_2(%arg0: i32, %arg1: i32) -> (i32, i32, i32) {
    %c0_i32 = arith.constant 0 : i32
    %c0_i32_0 = arith.constant 0 : i32
    return %arg0, %arg1, %c0_i32 : i32, i32, i32
  }
  func.func @transform_3(%arg0: i32, %arg1: i32) -> (i32, i32, i32) {
    %c0_i32 = arith.constant 0 : i32
    %c0_i32_0 = arith.constant 0 : i32
    return %arg0, %c0_i32, %arg1 : i32, i32, i32
  }
  func.func @transform_4(%arg0: i32, %arg1: i32) -> (i32, i32, i32) {
    %c0_i32 = arith.constant 0 : i32
    %c0_i32_0 = arith.constant 0 : i32
    return %arg0, %c0_i32, %arg1 : i32, i32, i32
  }
  func.func @transform_5(%arg0: i32, %arg1: i32) -> (i32, i32, i32, i32) {
    %c0_i32 = arith.constant 0 : i32
    %c0_i32_0 = arith.constant 0 : i32
    %c0_i32_1 = arith.constant 0 : i32
    return %arg0, %arg1, %c0_i32, %c0_i32_0 : i32, i32, i32, i32
  }
  func.func @transform_6(%arg0: i32, %arg1: i32) -> (i32, i32, i32, i32) {
    %c0_i32 = arith.constant 0 : i32
    %c0_i32_0 = arith.constant 0 : i32
    %c0_i32_1 = arith.constant 0 : i32
    return %arg0, %arg1, %c0_i32, %c0_i32_0 : i32, i32, i32, i32
  }
}

module attributes {stable_mosaic.version = 14 : i64} {
  func.func @_d2_kernel(%arg0: i32, %arg1: memref<1x1024x32xf32, #tpu.memory_space<vmem>>, %arg2: memref<1x1024x1024xf32, #tpu.memory_space<vmem>>) attributes {dimension_semantics = [#tpu.dimension_semantics<arbitrary>], iteration_bounds = array<i64: 4>, scalar_prefetch = 0 : i64, scratch_operands = 0 : i64, tpu.core_type = #tpu.core_type<tc>, window_params = [{transform_indices = @transform_0, window_bounds = array<i64: 1, 1024, 32>}, {transform_indices = @transform_1, window_bounds = array<i64: 1, 1024, 1024>}]} {
    %get3A = arith.constant 0 : index
    %get3A_0 = arith.constant 0 : index
    %get3A_1 = arith.constant 0 : index
    %get3A_2 = vector.load %arg1[%get3A, %get3A_0, %get3A_1] : memref<1x1024x32xf32, #tpu.memory_space<vmem>>, vector<1x1024x32xf32>
    %get3A_3 = vector.shape_cast %get3A_2 : vector<1x1024x32xf32> to vector<1024x32xf32>
    %mul3A = arith.mulf %get3A_3, %get3A_3 : vector<1024x32xf32>
    %reduce_sum3A = arith.constant dense<0.000000e+00> : vector<1024xf32>
    %reduce_sum3A_4 = vector.multi_reduction <add>, %mul3A, %reduce_sum3A [1] : vector<1024x32xf32> to vector<1024xf32>
    %dot_general3A = arith.constant dense<0.000000e+00> : vector<1024x1024xf32>
    %dot_general3A_5 = tpu.matmul %get3A_3, %get3A_3, %dot_general3A {dimension_numbers = #tpu.dot_dimension_numbers<[1], [1], [0], [0], [0, 0, 1, 0], [], []>, transpose_lhs_hint = false} : vector<1024x32xf32>, vector<1024x32xf32>, vector<1024x1024xf32> -> vector<1024x1024xf32>
    %broadcast_in_dim3A = vector.shape_cast %reduce_sum3A_4 : vector<1024xf32> to vector<1024x1xf32>
    %broadcast_in_dim3A_6 = vector.shape_cast %reduce_sum3A_4 : vector<1024xf32> to vector<1x1024xf32>
    %add3A = vector.broadcast %broadcast_in_dim3A : vector<1024x1xf32> to vector<1024x1024xf32>
    %add3A_7 = vector.broadcast %broadcast_in_dim3A_6 : vector<1x1024xf32> to vector<1024x1024xf32>
    %add3A_8 = arith.addf %add3A, %add3A_7 : vector<1024x1024xf32>
    %mul3A_9 = arith.constant 2.000000e+00 : f32
    %mul3A_10 = vector.broadcast %mul3A_9 : f32 to vector<1024x1024xf32>
    %mul3A_11 = arith.mulf %mul3A_10, %dot_general3A_5 : vector<1024x1024xf32>
    %sub3A = arith.subf %add3A_8, %mul3A_11 : vector<1024x1024xf32>
    %jit3A = arith.constant 9.99999996E-13 : f32
    %max3A = vector.broadcast %jit3A : f32 to vector<1024x1024xf32>
    %max3A_12 = arith.maximumf %max3A, %sub3A : vector<1024x1024xf32>
    %sqrt3A = math.sqrt %max3A_12 : vector<1024x1024xf32>
    %neg3A = arith.constant 0.000000e+00 : f32
    %neg3A_13 = vector.broadcast %neg3A : f32 to vector<1024x1024xf32>
    %neg3A_14 = arith.subf %neg3A_13, %sqrt3A : vector<1024x1024xf32>
    %swap3A = arith.constant 0 : index
    %swap3A_15 = arith.constant 0 : index
    %swap3A_16 = arith.constant 0 : index
    %swap3A_17 = vector.load %arg2[%swap3A, %swap3A_15, %swap3A_16] : memref<1x1024x1024xf32, #tpu.memory_space<vmem>>, vector<1x1024x1024xf32>
    %swap3A_18 = vector.shape_cast %swap3A_17 : vector<1x1024x1024xf32> to vector<1024x1024xf32>
    %swap3A_19 = vector.shape_cast %neg3A_14 : vector<1024x1024xf32> to vector<1x1024x1024xf32>
    tpu.vector_store %arg2[%swap3A, %swap3A_15, %swap3A_16], %swap3A_19 {strides = array<i32>} : memref<1x1024x1024xf32, #tpu.memory_space<vmem>>, vector<1x1024x1024xf32>,
    return
  }
  func.func @transform_0(%arg0: i32) -> (i32, i32, i32) {
    %c0_i32 = arith.constant 0 : i32
    %c0_i32_0 = arith.constant 0 : i32
    %c0_i32_1 = arith.constant 0 : i32
    return %arg0, %c0_i32, %c0_i32_0 : i32, i32, i32
  }
  func.func @transform_1(%arg0: i32) -> (i32, i32, i32) {
    %c0_i32 = arith.constant 0 : i32
    %c0_i32_0 = arith.constant 0 : i32
    %c0_i32_1 = arith.constant 0 : i32
    return %arg0, %c0_i32, %c0_i32_0 : i32, i32, i32
  }
}

module attributes {stable_mosaic.version = 14 : i64} {
  func.func @_edge_kernel(%arg0: i32, %arg1: i32, %arg2: memref<64x32xf32, #tpu.memory_space<vmem>>, %arg3: memref<64x32xf32, #tpu.memory_space<vmem>>, %arg4: memref<1x4096x32xf32, #tpu.memory_space<vmem>>, %arg5: memref<1x32x128xf32, #tpu.memory_space<vmem>>, %arg6: memref<1x64x128xf32, #tpu.memory_space<vmem>>, %arg7: memref<1x1x1x64xf32, #tpu.memory_space<vmem>>, %arg8: memref<1x1x1x64xf32, #tpu.memory_space<vmem>>) attributes {dimension_semantics = [#tpu.dimension_semantics<arbitrary>, #tpu.dimension_semantics<arbitrary>], iteration_bounds = array<i64: 4, 8>, scalar_prefetch = 0 : i64, scratch_operands = 0 : i64, tpu.core_type = #tpu.core_type<tc>, window_params = [{pipeline_mode = #tpu.pipeline_mode<synchronous>, transform_indices = @transform_0, window_bounds = array<i64: 64, 32>}, {pipeline_mode = #tpu.pipeline_mode<synchronous>, transform_indices = @transform_1, window_bounds = array<i64: 64, 32>}, {transform_indices = @transform_2, window_bounds = array<i64: 1, 4096, 32>}, {transform_indices = @transform_3, window_bounds = array<i64: 1, 32, 128>}, {transform_indices = @transform_4, window_bounds = array<i64: 1, 64, 128>}, {transform_indices = @transform_5, window_bounds = array<i64: 1, 1, 1, 64>}, {transform_indices = @transform_6, window_bounds = array<i64: 1, 1, 1, 64>}]} {
    %get3A = arith.constant 0 : index
    %get3A_0 = arith.constant 0 : index
    %get3A_1 = arith.constant 0 : index
    %get3A_2 = vector.load %arg4[%get3A, %get3A_0, %get3A_1] : memref<1x4096x32xf32, #tpu.memory_space<vmem>>, vector<1x4096x32xf32>
    %get3A_3 = vector.shape_cast %get3A_2 : vector<1x4096x32xf32> to vector<4096x32xf32>
    %get3A_4 = arith.constant 0 : index
    %get3A_5 = arith.constant 0 : index
    %get3A_6 = arith.constant 0 : index
    %get3A_7 = vector.load %arg5[%get3A_4, %get3A_5, %get3A_6] : memref<1x32x128xf32, #tpu.memory_space<vmem>>, vector<1x32x128xf32>
    %get3A_8 = vector.shape_cast %get3A_7 : vector<1x32x128xf32> to vector<32x128xf32>
    %transpose3A = tpu.transpose %get3A_8, [1, 0] : vector<32x128xf32> -> vector<128x32xf32>
    %broadcast_in_dim3A = vector.shape_cast %transpose3A : vector<128x32xf32> to vector<128x1x32xf32>
    %broadcast_in_dim3A_9 = vector.broadcast %broadcast_in_dim3A : vector<128x1x32xf32> to vector<128x32x32xf32>
    %reshape3A = vector.shape_cast %broadcast_in_dim3A_9 : vector<128x32x32xf32> to vector<4096x32xf32>
    %get3A_10 = arith.constant 0 : index
    %get3A_11 = arith.constant 0 : index
    %get3A_12 = vector.load %arg2[%get3A_10, %get3A_11] : memref<64x32xf32, #tpu.memory_space<vmem>>, vector<64x32xf32>
    %sub3A = arith.subf %get3A_3, %reshape3A : vector<4096x32xf32>
    %dot_general3A = arith.constant dense<0.000000e+00> : vector<64x4096xf32>
    %dot_general3A_13 = tpu.matmul %get3A_12, %sub3A, %dot_general3A {dimension_numbers = #tpu.dot_dimension_numbers<[1], [1], [0], [0], [0, 0, 1, 0], [], []>, transpose_lhs_hint = false} : vector<64x32xf32>, vector<4096x32xf32>, vector<64x4096xf32> -> vector<64x4096xf32>
    %get3A_14 = arith.constant 0 : index
    %get3A_15 = arith.constant 0 : index
    %get3A_16 = vector.load %arg3[%get3A_14, %get3A_15] : memref<64x32xf32, #tpu.memory_space<vmem>>, vector<64x32xf32>
    %dot_general3A_17 = arith.constant dense<0.000000e+00> : vector<64x128xf32>
    %dot_general3A_18 = tpu.matmul %get3A_16, %get3A_8, %dot_general3A_17 {dimension_numbers = #tpu.dot_dimension_numbers<[1], [0], [0], [1], [0, 0, 1, 1], [], []>, transpose_lhs_hint = false} : vector<64x32xf32>, vector<32x128xf32>, vector<64x128xf32> -> vector<64x128xf32>
    %broadcast_in_dim3A_19 = vector.shape_cast %dot_general3A_18 : vector<64x128xf32> to vector<64x128x1xf32>
    %broadcast_in_dim3A_20 = vector.broadcast %broadcast_in_dim3A_19 : vector<64x128x1xf32> to vector<64x128x32xf32>
    %reshape3A_21 = vector.shape_cast %broadcast_in_dim3A_20 : vector<64x128x32xf32> to vector<64x4096xf32>
    %add3A = arith.addf %dot_general3A_13, %reshape3A_21 : vector<64x4096xf32>
    %reshape3A_22 = vector.shape_cast %add3A : vector<64x4096xf32> to vector<64x128x32xf32>
    %reduce_max3A = arith.constant dense<0xFF800000> : vector<64x128xf32>
    %reduce_max3A_23 = vector.multi_reduction <maximumf>, %reshape3A_22, %reduce_max3A [2] : vector<64x128x32xf32> to vector<64x128xf32>
    %swap3A = arith.constant 0 : index
    %swap3A_24 = arith.constant 0 : index
    %swap3A_25 = arith.constant 0 : index
    %swap3A_26 = vector.load %arg6[%swap3A, %swap3A_24, %swap3A_25] : memref<1x64x128xf32, #tpu.memory_space<vmem>>, vector<1x64x128xf32>
    %swap3A_27 = vector.shape_cast %swap3A_26 : vector<1x64x128xf32> to vector<64x128xf32>
    %swap3A_28 = vector.shape_cast %reduce_max3A_23 : vector<64x128xf32> to vector<1x64x128xf32>
    tpu.vector_store %arg6[%swap3A, %swap3A_24, %swap3A_25], %swap3A_28 {strides = array<i32>} : memref<1x64x128xf32, #tpu.memory_space<vmem>>, vector<1x64x128xf32>,
    %reduce_sum3A = arith.constant dense<0.000000e+00> : vector<64xf32>
    %reduce_sum3A_29 = vector.multi_reduction <add>, %add3A, %reduce_sum3A [1] : vector<64x4096xf32> to vector<64xf32>
    %swap3A_30 = arith.constant 0 : index
    %swap3A_31 = arith.constant 0 : index
    %swap3A_32 = arith.constant 0 : index
    %swap3A_33 = arith.constant 0 : index
    %swap3A_34 = vector.load %arg7[%swap3A_30, %swap3A_31, %swap3A_32, %swap3A_33] : memref<1x1x1x64xf32, #tpu.memory_space<vmem>>, vector<1x1x1x64xf32>
    %swap3A_35 = vector.shape_cast %swap3A_34 : vector<1x1x1x64xf32> to vector<64xf32>
    %swap3A_36 = vector.shape_cast %reduce_sum3A_29 : vector<64xf32> to vector<1x1x1x64xf32>
    tpu.vector_store %arg7[%swap3A_30, %swap3A_31, %swap3A_32, %swap3A_33], %swap3A_36 {strides = array<i32>} : memref<1x1x1x64xf32, #tpu.memory_space<vmem>>, vector<1x1x1x64xf32>,
    %mul3A = arith.mulf %add3A, %add3A : vector<64x4096xf32>
    %reduce_sum3A_37 = arith.constant dense<0.000000e+00> : vector<64xf32>
    %reduce_sum3A_38 = vector.multi_reduction <add>, %mul3A, %reduce_sum3A_37 [1] : vector<64x4096xf32> to vector<64xf32>
    %swap3A_39 = arith.constant 0 : index
    %swap3A_40 = arith.constant 0 : index
    %swap3A_41 = arith.constant 0 : index
    %swap3A_42 = arith.constant 0 : index
    %swap3A_43 = vector.load %arg8[%swap3A_39, %swap3A_40, %swap3A_41, %swap3A_42] : memref<1x1x1x64xf32, #tpu.memory_space<vmem>>, vector<1x1x1x64xf32>
    %swap3A_44 = vector.shape_cast %swap3A_43 : vector<1x1x1x64xf32> to vector<64xf32>
    %swap3A_45 = vector.shape_cast %reduce_sum3A_38 : vector<64xf32> to vector<1x1x1x64xf32>
    tpu.vector_store %arg8[%swap3A_39, %swap3A_40, %swap3A_41, %swap3A_42], %swap3A_45 {strides = array<i32>} : memref<1x1x1x64xf32, #tpu.memory_space<vmem>>, vector<1x1x1x64xf32>,
    return
  }
  func.func @transform_0(%arg0: i32, %arg1: i32) -> (i32, i32) {
    %c0_i32 = arith.constant 0 : i32
    %c0_i32_0 = arith.constant 0 : i32
    %c0_i32_1 = arith.constant 0 : i32
    return %c0_i32, %c0_i32_0 : i32, i32
  }
  func.func @transform_1(%arg0: i32, %arg1: i32) -> (i32, i32) {
    %c0_i32 = arith.constant 0 : i32
    %c0_i32_0 = arith.constant 0 : i32
    %c0_i32_1 = arith.constant 0 : i32
    return %c0_i32, %c0_i32_0 : i32, i32
  }
  func.func @transform_2(%arg0: i32, %arg1: i32) -> (i32, i32, i32) {
    %c0_i32 = arith.constant 0 : i32
    %c0_i32_0 = arith.constant 0 : i32
    return %arg0, %arg1, %c0_i32 : i32, i32, i32
  }
  func.func @transform_3(%arg0: i32, %arg1: i32) -> (i32, i32, i32) {
    %c0_i32 = arith.constant 0 : i32
    %c0_i32_0 = arith.constant 0 : i32
    return %arg0, %c0_i32, %arg1 : i32, i32, i32
  }
  func.func @transform_4(%arg0: i32, %arg1: i32) -> (i32, i32, i32) {
    %c0_i32 = arith.constant 0 : i32
    %c0_i32_0 = arith.constant 0 : i32
    return %arg0, %c0_i32, %arg1 : i32, i32, i32
  }
  func.func @transform_5(%arg0: i32, %arg1: i32) -> (i32, i32, i32, i32) {
    %c0_i32 = arith.constant 0 : i32
    %c0_i32_0 = arith.constant 0 : i32
    %c0_i32_1 = arith.constant 0 : i32
    return %arg0, %arg1, %c0_i32, %c0_i32_0 : i32, i32, i32, i32
  }
  func.func @transform_6(%arg0: i32, %arg1: i32) -> (i32, i32, i32, i32) {
    %c0_i32 = arith.constant 0 : i32
    %c0_i32_0 = arith.constant 0 : i32
    %c0_i32_1 = arith.constant 0 : i32
    return %arg0, %arg1, %c0_i32, %c0_i32_0 : i32, i32, i32, i32
  }
}

module attributes {stable_mosaic.version = 14 : i64} {
  func.func @_d2_kernel(%arg0: i32, %arg1: memref<1x1024x64xf32, #tpu.memory_space<vmem>>, %arg2: memref<1x1024x1024xf32, #tpu.memory_space<vmem>>) attributes {dimension_semantics = [#tpu.dimension_semantics<arbitrary>], iteration_bounds = array<i64: 4>, scalar_prefetch = 0 : i64, scratch_operands = 0 : i64, tpu.core_type = #tpu.core_type<tc>, window_params = [{transform_indices = @transform_0, window_bounds = array<i64: 1, 1024, 64>}, {transform_indices = @transform_1, window_bounds = array<i64: 1, 1024, 1024>}]} {
    %get3A = arith.constant 0 : index
    %get3A_0 = arith.constant 0 : index
    %get3A_1 = arith.constant 0 : index
    %get3A_2 = vector.load %arg1[%get3A, %get3A_0, %get3A_1] : memref<1x1024x64xf32, #tpu.memory_space<vmem>>, vector<1x1024x64xf32>
    %get3A_3 = vector.shape_cast %get3A_2 : vector<1x1024x64xf32> to vector<1024x64xf32>
    %mul3A = arith.mulf %get3A_3, %get3A_3 : vector<1024x64xf32>
    %reduce_sum3A = arith.constant dense<0.000000e+00> : vector<1024xf32>
    %reduce_sum3A_4 = vector.multi_reduction <add>, %mul3A, %reduce_sum3A [1] : vector<1024x64xf32> to vector<1024xf32>
    %dot_general3A = arith.constant dense<0.000000e+00> : vector<1024x1024xf32>
    %dot_general3A_5 = tpu.matmul %get3A_3, %get3A_3, %dot_general3A {dimension_numbers = #tpu.dot_dimension_numbers<[1], [1], [0], [0], [0, 0, 1, 0], [], []>, transpose_lhs_hint = false} : vector<1024x64xf32>, vector<1024x64xf32>, vector<1024x1024xf32> -> vector<1024x1024xf32>
    %broadcast_in_dim3A = vector.shape_cast %reduce_sum3A_4 : vector<1024xf32> to vector<1024x1xf32>
    %broadcast_in_dim3A_6 = vector.shape_cast %reduce_sum3A_4 : vector<1024xf32> to vector<1x1024xf32>
    %add3A = vector.broadcast %broadcast_in_dim3A : vector<1024x1xf32> to vector<1024x1024xf32>
    %add3A_7 = vector.broadcast %broadcast_in_dim3A_6 : vector<1x1024xf32> to vector<1024x1024xf32>
    %add3A_8 = arith.addf %add3A, %add3A_7 : vector<1024x1024xf32>
    %mul3A_9 = arith.constant 2.000000e+00 : f32
    %mul3A_10 = vector.broadcast %mul3A_9 : f32 to vector<1024x1024xf32>
    %mul3A_11 = arith.mulf %mul3A_10, %dot_general3A_5 : vector<1024x1024xf32>
    %sub3A = arith.subf %add3A_8, %mul3A_11 : vector<1024x1024xf32>
    %jit3A = arith.constant 9.99999996E-13 : f32
    %max3A = vector.broadcast %jit3A : f32 to vector<1024x1024xf32>
    %max3A_12 = arith.maximumf %max3A, %sub3A : vector<1024x1024xf32>
    %sqrt3A = math.sqrt %max3A_12 : vector<1024x1024xf32>
    %neg3A = arith.constant 0.000000e+00 : f32
    %neg3A_13 = vector.broadcast %neg3A : f32 to vector<1024x1024xf32>
    %neg3A_14 = arith.subf %neg3A_13, %sqrt3A : vector<1024x1024xf32>
    %swap3A = arith.constant 0 : index
    %swap3A_15 = arith.constant 0 : index
    %swap3A_16 = arith.constant 0 : index
    %swap3A_17 = vector.load %arg2[%swap3A, %swap3A_15, %swap3A_16] : memref<1x1024x1024xf32, #tpu.memory_space<vmem>>, vector<1x1024x1024xf32>
    %swap3A_18 = vector.shape_cast %swap3A_17 : vector<1x1024x1024xf32> to vector<1024x1024xf32>
    %swap3A_19 = vector.shape_cast %neg3A_14 : vector<1024x1024xf32> to vector<1x1024x1024xf32>
    tpu.vector_store %arg2[%swap3A, %swap3A_15, %swap3A_16], %swap3A_19 {strides = array<i32>} : memref<1x1024x1024xf32, #tpu.memory_space<vmem>>, vector<1x1024x1024xf32>,
    return
  }
  func.func @transform_0(%arg0: i32) -> (i32, i32, i32) {
    %c0_i32 = arith.constant 0 : i32
    %c0_i32_0 = arith.constant 0 : i32
    %c0_i32_1 = arith.constant 0 : i32
    return %arg0, %c0_i32, %c0_i32_0 : i32, i32, i32
  }
  func.func @transform_1(%arg0: i32) -> (i32, i32, i32) {
    %c0_i32 = arith.constant 0 : i32
    %c0_i32_0 = arith.constant 0 : i32
    %c0_i32_1 = arith.constant 0 : i32
    return %arg0, %c0_i32, %c0_i32_0 : i32, i32, i32
  }
}

module attributes {stable_mosaic.version = 14 : i64} {
  func.func @_edge_kernel(%arg0: i32, %arg1: i32, %arg2: memref<128x64xf32, #tpu.memory_space<vmem>>, %arg3: memref<128x64xf32, #tpu.memory_space<vmem>>, %arg4: memref<1x4096x64xf32, #tpu.memory_space<vmem>>, %arg5: memref<1x64x128xf32, #tpu.memory_space<vmem>>, %arg6: memref<1x128x128xf32, #tpu.memory_space<vmem>>, %arg7: memref<1x1x1x128xf32, #tpu.memory_space<vmem>>, %arg8: memref<1x1x1x128xf32, #tpu.memory_space<vmem>>) attributes {dimension_semantics = [#tpu.dimension_semantics<arbitrary>, #tpu.dimension_semantics<arbitrary>], iteration_bounds = array<i64: 4, 8>, scalar_prefetch = 0 : i64, scratch_operands = 0 : i64, tpu.core_type = #tpu.core_type<tc>, window_params = [{pipeline_mode = #tpu.pipeline_mode<synchronous>, transform_indices = @transform_0, window_bounds = array<i64: 128, 64>}, {pipeline_mode = #tpu.pipeline_mode<synchronous>, transform_indices = @transform_1, window_bounds = array<i64: 128, 64>}, {transform_indices = @transform_2, window_bounds = array<i64: 1, 4096, 64>}, {transform_indices = @transform_3, window_bounds = array<i64: 1, 64, 128>}, {transform_indices = @transform_4, window_bounds = array<i64: 1, 128, 128>}, {transform_indices = @transform_5, window_bounds = array<i64: 1, 1, 1, 128>}, {transform_indices = @transform_6, window_bounds = array<i64: 1, 1, 1, 128>}]} {
    %get3A = arith.constant 0 : index
    %get3A_0 = arith.constant 0 : index
    %get3A_1 = arith.constant 0 : index
    %get3A_2 = vector.load %arg4[%get3A, %get3A_0, %get3A_1] : memref<1x4096x64xf32, #tpu.memory_space<vmem>>, vector<1x4096x64xf32>
    %get3A_3 = vector.shape_cast %get3A_2 : vector<1x4096x64xf32> to vector<4096x64xf32>
    %get3A_4 = arith.constant 0 : index
    %get3A_5 = arith.constant 0 : index
    %get3A_6 = arith.constant 0 : index
    %get3A_7 = vector.load %arg5[%get3A_4, %get3A_5, %get3A_6] : memref<1x64x128xf32, #tpu.memory_space<vmem>>, vector<1x64x128xf32>
    %get3A_8 = vector.shape_cast %get3A_7 : vector<1x64x128xf32> to vector<64x128xf32>
    %transpose3A = tpu.transpose %get3A_8, [1, 0] : vector<64x128xf32> -> vector<128x64xf32>
    %broadcast_in_dim3A = vector.shape_cast %transpose3A : vector<128x64xf32> to vector<128x1x64xf32>
    %broadcast_in_dim3A_9 = vector.broadcast %broadcast_in_dim3A : vector<128x1x64xf32> to vector<128x32x64xf32>
    %reshape3A = vector.shape_cast %broadcast_in_dim3A_9 : vector<128x32x64xf32> to vector<4096x64xf32>
    %get3A_10 = arith.constant 0 : index
    %get3A_11 = arith.constant 0 : index
    %get3A_12 = vector.load %arg2[%get3A_10, %get3A_11] : memref<128x64xf32, #tpu.memory_space<vmem>>, vector<128x64xf32>
    %sub3A = arith.subf %get3A_3, %reshape3A : vector<4096x64xf32>
    %dot_general3A = arith.constant dense<0.000000e+00> : vector<128x4096xf32>
    %dot_general3A_13 = tpu.matmul %get3A_12, %sub3A, %dot_general3A {dimension_numbers = #tpu.dot_dimension_numbers<[1], [1], [0], [0], [0, 0, 1, 0], [], []>, transpose_lhs_hint = false} : vector<128x64xf32>, vector<4096x64xf32>, vector<128x4096xf32> -> vector<128x4096xf32>
    %get3A_14 = arith.constant 0 : index
    %get3A_15 = arith.constant 0 : index
    %get3A_16 = vector.load %arg3[%get3A_14, %get3A_15] : memref<128x64xf32, #tpu.memory_space<vmem>>, vector<128x64xf32>
    %dot_general3A_17 = arith.constant dense<0.000000e+00> : vector<128x128xf32>
    %dot_general3A_18 = tpu.matmul %get3A_16, %get3A_8, %dot_general3A_17 {dimension_numbers = #tpu.dot_dimension_numbers<[1], [0], [0], [1], [0, 0, 1, 1], [], []>, transpose_lhs_hint = false} : vector<128x64xf32>, vector<64x128xf32>, vector<128x128xf32> -> vector<128x128xf32>
    %broadcast_in_dim3A_19 = vector.shape_cast %dot_general3A_18 : vector<128x128xf32> to vector<128x128x1xf32>
    %broadcast_in_dim3A_20 = vector.broadcast %broadcast_in_dim3A_19 : vector<128x128x1xf32> to vector<128x128x32xf32>
    %reshape3A_21 = vector.shape_cast %broadcast_in_dim3A_20 : vector<128x128x32xf32> to vector<128x4096xf32>
    %add3A = arith.addf %dot_general3A_13, %reshape3A_21 : vector<128x4096xf32>
    %reshape3A_22 = vector.shape_cast %add3A : vector<128x4096xf32> to vector<128x128x32xf32>
    %reduce_max3A = arith.constant dense<0xFF800000> : vector<128x128xf32>
    %reduce_max3A_23 = vector.multi_reduction <maximumf>, %reshape3A_22, %reduce_max3A [2] : vector<128x128x32xf32> to vector<128x128xf32>
    %swap3A = arith.constant 0 : index
    %swap3A_24 = arith.constant 0 : index
    %swap3A_25 = arith.constant 0 : index
    %swap3A_26 = vector.load %arg6[%swap3A, %swap3A_24, %swap3A_25] : memref<1x128x128xf32, #tpu.memory_space<vmem>>, vector<1x128x128xf32>
    %swap3A_27 = vector.shape_cast %swap3A_26 : vector<1x128x128xf32> to vector<128x128xf32>
    %swap3A_28 = vector.shape_cast %reduce_max3A_23 : vector<128x128xf32> to vector<1x128x128xf32>
    tpu.vector_store %arg6[%swap3A, %swap3A_24, %swap3A_25], %swap3A_28 {strides = array<i32>} : memref<1x128x128xf32, #tpu.memory_space<vmem>>, vector<1x128x128xf32>,
    %reduce_sum3A = arith.constant dense<0.000000e+00> : vector<128xf32>
    %reduce_sum3A_29 = vector.multi_reduction <add>, %add3A, %reduce_sum3A [1] : vector<128x4096xf32> to vector<128xf32>
    %swap3A_30 = arith.constant 0 : index
    %swap3A_31 = arith.constant 0 : index
    %swap3A_32 = arith.constant 0 : index
    %swap3A_33 = arith.constant 0 : index
    %swap3A_34 = vector.load %arg7[%swap3A_30, %swap3A_31, %swap3A_32, %swap3A_33] : memref<1x1x1x128xf32, #tpu.memory_space<vmem>>, vector<1x1x1x128xf32>
    %swap3A_35 = vector.shape_cast %swap3A_34 : vector<1x1x1x128xf32> to vector<128xf32>
    %swap3A_36 = vector.shape_cast %reduce_sum3A_29 : vector<128xf32> to vector<1x1x1x128xf32>
    tpu.vector_store %arg7[%swap3A_30, %swap3A_31, %swap3A_32, %swap3A_33], %swap3A_36 {strides = array<i32>} : memref<1x1x1x128xf32, #tpu.memory_space<vmem>>, vector<1x1x1x128xf32>,
    %mul3A = arith.mulf %add3A, %add3A : vector<128x4096xf32>
    %reduce_sum3A_37 = arith.constant dense<0.000000e+00> : vector<128xf32>
    %reduce_sum3A_38 = vector.multi_reduction <add>, %mul3A, %reduce_sum3A_37 [1] : vector<128x4096xf32> to vector<128xf32>
    %swap3A_39 = arith.constant 0 : index
    %swap3A_40 = arith.constant 0 : index
    %swap3A_41 = arith.constant 0 : index
    %swap3A_42 = arith.constant 0 : index
    %swap3A_43 = vector.load %arg8[%swap3A_39, %swap3A_40, %swap3A_41, %swap3A_42] : memref<1x1x1x128xf32, #tpu.memory_space<vmem>>, vector<1x1x1x128xf32>
    %swap3A_44 = vector.shape_cast %swap3A_43 : vector<1x1x1x128xf32> to vector<128xf32>
    %swap3A_45 = vector.shape_cast %reduce_sum3A_38 : vector<128xf32> to vector<1x1x1x128xf32>
    tpu.vector_store %arg8[%swap3A_39, %swap3A_40, %swap3A_41, %swap3A_42], %swap3A_45 {strides = array<i32>} : memref<1x1x1x128xf32, #tpu.memory_space<vmem>>, vector<1x1x1x128xf32>,
    return
  }
  func.func @transform_0(%arg0: i32, %arg1: i32) -> (i32, i32) {
    %c0_i32 = arith.constant 0 : i32
    %c0_i32_0 = arith.constant 0 : i32
    %c0_i32_1 = arith.constant 0 : i32
    return %c0_i32, %c0_i32_0 : i32, i32
  }
  func.func @transform_1(%arg0: i32, %arg1: i32) -> (i32, i32) {
    %c0_i32 = arith.constant 0 : i32
    %c0_i32_0 = arith.constant 0 : i32
    %c0_i32_1 = arith.constant 0 : i32
    return %c0_i32, %c0_i32_0 : i32, i32
  }
  func.func @transform_2(%arg0: i32, %arg1: i32) -> (i32, i32, i32) {
    %c0_i32 = arith.constant 0 : i32
    %c0_i32_0 = arith.constant 0 : i32
    return %arg0, %arg1, %c0_i32 : i32, i32, i32
  }
  func.func @transform_3(%arg0: i32, %arg1: i32) -> (i32, i32, i32) {
    %c0_i32 = arith.constant 0 : i32
    %c0_i32_0 = arith.constant 0 : i32
    return %arg0, %c0_i32, %arg1 : i32, i32, i32
  }
  func.func @transform_4(%arg0: i32, %arg1: i32) -> (i32, i32, i32) {
    %c0_i32 = arith.constant 0 : i32
    %c0_i32_0 = arith.constant 0 : i32
    return %arg0, %c0_i32, %arg1 : i32, i32, i32
  }
  func.func @transform_5(%arg0: i32, %arg1: i32) -> (i32, i32, i32, i32) {
    %c0_i32 = arith.constant 0 : i32
    %c0_i32_0 = arith.constant 0 : i32
    %c0_i32_1 = arith.constant 0 : i32
    return %arg0, %arg1, %c0_i32, %c0_i32_0 : i32, i32, i32, i32
  }
  func.func @transform_6(%arg0: i32, %arg1: i32) -> (i32, i32, i32, i32) {
    %c0_i32 = arith.constant 0 : i32
    %c0_i32_0 = arith.constant 0 : i32
    %c0_i32_1 = arith.constant 0 : i32
    return %arg0, %arg1, %c0_i32, %c0_i32_0 : i32, i32, i32, i32
  }
}

module attributes {stable_mosaic.version = 14 : i64} {
  func.func @_d2_kernel(%arg0: i32, %arg1: memref<1x1024x128xf32, #tpu.memory_space<vmem>>, %arg2: memref<1x1024x1024xf32, #tpu.memory_space<vmem>>) attributes {dimension_semantics = [#tpu.dimension_semantics<arbitrary>], iteration_bounds = array<i64: 4>, scalar_prefetch = 0 : i64, scratch_operands = 0 : i64, tpu.core_type = #tpu.core_type<tc>, window_params = [{transform_indices = @transform_0, window_bounds = array<i64: 1, 1024, 128>}, {transform_indices = @transform_1, window_bounds = array<i64: 1, 1024, 1024>}]} {
    %get3A = arith.constant 0 : index
    %get3A_0 = arith.constant 0 : index
    %get3A_1 = arith.constant 0 : index
    %get3A_2 = vector.load %arg1[%get3A, %get3A_0, %get3A_1] : memref<1x1024x128xf32, #tpu.memory_space<vmem>>, vector<1x1024x128xf32>
    %get3A_3 = vector.shape_cast %get3A_2 : vector<1x1024x128xf32> to vector<1024x128xf32>
    %mul3A = arith.mulf %get3A_3, %get3A_3 : vector<1024x128xf32>
    %reduce_sum3A = arith.constant dense<0.000000e+00> : vector<1024xf32>
    %reduce_sum3A_4 = vector.multi_reduction <add>, %mul3A, %reduce_sum3A [1] : vector<1024x128xf32> to vector<1024xf32>
    %dot_general3A = arith.constant dense<0.000000e+00> : vector<1024x1024xf32>
    %dot_general3A_5 = tpu.matmul %get3A_3, %get3A_3, %dot_general3A {dimension_numbers = #tpu.dot_dimension_numbers<[1], [1], [0], [0], [0, 0, 1, 0], [], []>, transpose_lhs_hint = false} : vector<1024x128xf32>, vector<1024x128xf32>, vector<1024x1024xf32> -> vector<1024x1024xf32>
    %broadcast_in_dim3A = vector.shape_cast %reduce_sum3A_4 : vector<1024xf32> to vector<1024x1xf32>
    %broadcast_in_dim3A_6 = vector.shape_cast %reduce_sum3A_4 : vector<1024xf32> to vector<1x1024xf32>
    %add3A = vector.broadcast %broadcast_in_dim3A : vector<1024x1xf32> to vector<1024x1024xf32>
    %add3A_7 = vector.broadcast %broadcast_in_dim3A_6 : vector<1x1024xf32> to vector<1024x1024xf32>
    %add3A_8 = arith.addf %add3A, %add3A_7 : vector<1024x1024xf32>
    %mul3A_9 = arith.constant 2.000000e+00 : f32
    %mul3A_10 = vector.broadcast %mul3A_9 : f32 to vector<1024x1024xf32>
    %mul3A_11 = arith.mulf %mul3A_10, %dot_general3A_5 : vector<1024x1024xf32>
    %sub3A = arith.subf %add3A_8, %mul3A_11 : vector<1024x1024xf32>
    %jit3A = arith.constant 9.99999996E-13 : f32
    %max3A = vector.broadcast %jit3A : f32 to vector<1024x1024xf32>
    %max3A_12 = arith.maximumf %max3A, %sub3A : vector<1024x1024xf32>
    %sqrt3A = math.sqrt %max3A_12 : vector<1024x1024xf32>
    %neg3A = arith.constant 0.000000e+00 : f32
    %neg3A_13 = vector.broadcast %neg3A : f32 to vector<1024x1024xf32>
    %neg3A_14 = arith.subf %neg3A_13, %sqrt3A : vector<1024x1024xf32>
    %swap3A = arith.constant 0 : index
    %swap3A_15 = arith.constant 0 : index
    %swap3A_16 = arith.constant 0 : index
    %swap3A_17 = vector.load %arg2[%swap3A, %swap3A_15, %swap3A_16] : memref<1x1024x1024xf32, #tpu.memory_space<vmem>>, vector<1x1024x1024xf32>
    %swap3A_18 = vector.shape_cast %swap3A_17 : vector<1x1024x1024xf32> to vector<1024x1024xf32>
    %swap3A_19 = vector.shape_cast %neg3A_14 : vector<1024x1024xf32> to vector<1x1024x1024xf32>
    tpu.vector_store %arg2[%swap3A, %swap3A_15, %swap3A_16], %swap3A_19 {strides = array<i32>} : memref<1x1024x1024xf32, #tpu.memory_space<vmem>>, vector<1x1024x1024xf32>,
    return
  }
  func.func @transform_0(%arg0: i32) -> (i32, i32, i32) {
    %c0_i32 = arith.constant 0 : i32
    %c0_i32_0 = arith.constant 0 : i32
    %c0_i32_1 = arith.constant 0 : i32
    return %arg0, %c0_i32, %c0_i32_0 : i32, i32, i32
  }
  func.func @transform_1(%arg0: i32) -> (i32, i32, i32) {
    %c0_i32 = arith.constant 0 : i32
    %c0_i32_0 = arith.constant 0 : i32
    %c0_i32_1 = arith.constant 0 : i32
    return %arg0, %c0_i32, %c0_i32_0 : i32, i32, i32
  }
}

module attributes {stable_mosaic.version = 14 : i64} {
  func.func @_edge_kernel(%arg0: i32, %arg1: i32, %arg2: memref<256x128xf32, #tpu.memory_space<vmem>>, %arg3: memref<256x128xf32, #tpu.memory_space<vmem>>, %arg4: memref<1x4096x128xf32, #tpu.memory_space<vmem>>, %arg5: memref<1x128x128xf32, #tpu.memory_space<vmem>>, %arg6: memref<1x256x128xf32, #tpu.memory_space<vmem>>, %arg7: memref<1x1x1x256xf32, #tpu.memory_space<vmem>>, %arg8: memref<1x1x1x256xf32, #tpu.memory_space<vmem>>) attributes {dimension_semantics = [#tpu.dimension_semantics<arbitrary>, #tpu.dimension_semantics<arbitrary>], iteration_bounds = array<i64: 4, 8>, scalar_prefetch = 0 : i64, scratch_operands = 0 : i64, tpu.core_type = #tpu.core_type<tc>, window_params = [{pipeline_mode = #tpu.pipeline_mode<synchronous>, transform_indices = @transform_0, window_bounds = array<i64: 256, 128>}, {pipeline_mode = #tpu.pipeline_mode<synchronous>, transform_indices = @transform_1, window_bounds = array<i64: 256, 128>}, {transform_indices = @transform_2, window_bounds = array<i64: 1, 4096, 128>}, {transform_indices = @transform_3, window_bounds = array<i64: 1, 128, 128>}, {transform_indices = @transform_4, window_bounds = array<i64: 1, 256, 128>}, {transform_indices = @transform_5, window_bounds = array<i64: 1, 1, 1, 256>}, {transform_indices = @transform_6, window_bounds = array<i64: 1, 1, 1, 256>}]} {
    %get3A = arith.constant 0 : index
    %get3A_0 = arith.constant 0 : index
    %get3A_1 = arith.constant 0 : index
    %get3A_2 = vector.load %arg4[%get3A, %get3A_0, %get3A_1] : memref<1x4096x128xf32, #tpu.memory_space<vmem>>, vector<1x4096x128xf32>
    %get3A_3 = vector.shape_cast %get3A_2 : vector<1x4096x128xf32> to vector<4096x128xf32>
    %get3A_4 = arith.constant 0 : index
    %get3A_5 = arith.constant 0 : index
    %get3A_6 = arith.constant 0 : index
    %get3A_7 = vector.load %arg5[%get3A_4, %get3A_5, %get3A_6] : memref<1x128x128xf32, #tpu.memory_space<vmem>>, vector<1x128x128xf32>
    %get3A_8 = vector.shape_cast %get3A_7 : vector<1x128x128xf32> to vector<128x128xf32>
    %transpose3A = tpu.transpose %get3A_8, [1, 0] : vector<128x128xf32> -> vector<128x128xf32>
    %broadcast_in_dim3A = vector.shape_cast %transpose3A : vector<128x128xf32> to vector<128x1x128xf32>
    %broadcast_in_dim3A_9 = vector.broadcast %broadcast_in_dim3A : vector<128x1x128xf32> to vector<128x32x128xf32>
    %reshape3A = vector.shape_cast %broadcast_in_dim3A_9 : vector<128x32x128xf32> to vector<4096x128xf32>
    %get3A_10 = arith.constant 0 : index
    %get3A_11 = arith.constant 0 : index
    %get3A_12 = vector.load %arg2[%get3A_10, %get3A_11] : memref<256x128xf32, #tpu.memory_space<vmem>>, vector<256x128xf32>
    %sub3A = arith.subf %get3A_3, %reshape3A : vector<4096x128xf32>
    %dot_general3A = arith.constant dense<0.000000e+00> : vector<256x4096xf32>
    %dot_general3A_13 = tpu.matmul %get3A_12, %sub3A, %dot_general3A {dimension_numbers = #tpu.dot_dimension_numbers<[1], [1], [0], [0], [0, 0, 1, 0], [], []>, transpose_lhs_hint = false} : vector<256x128xf32>, vector<4096x128xf32>, vector<256x4096xf32> -> vector<256x4096xf32>
    %get3A_14 = arith.constant 0 : index
    %get3A_15 = arith.constant 0 : index
    %get3A_16 = vector.load %arg3[%get3A_14, %get3A_15] : memref<256x128xf32, #tpu.memory_space<vmem>>, vector<256x128xf32>
    %dot_general3A_17 = arith.constant dense<0.000000e+00> : vector<256x128xf32>
    %dot_general3A_18 = tpu.matmul %get3A_16, %get3A_8, %dot_general3A_17 {dimension_numbers = #tpu.dot_dimension_numbers<[1], [0], [0], [1], [0, 0, 1, 1], [], []>, transpose_lhs_hint = false} : vector<256x128xf32>, vector<128x128xf32>, vector<256x128xf32> -> vector<256x128xf32>
    %broadcast_in_dim3A_19 = vector.shape_cast %dot_general3A_18 : vector<256x128xf32> to vector<256x128x1xf32>
    %broadcast_in_dim3A_20 = vector.broadcast %broadcast_in_dim3A_19 : vector<256x128x1xf32> to vector<256x128x32xf32>
    %reshape3A_21 = vector.shape_cast %broadcast_in_dim3A_20 : vector<256x128x32xf32> to vector<256x4096xf32>
    %add3A = arith.addf %dot_general3A_13, %reshape3A_21 : vector<256x4096xf32>
    %reshape3A_22 = vector.shape_cast %add3A : vector<256x4096xf32> to vector<256x128x32xf32>
    %reduce_max3A = arith.constant dense<0xFF800000> : vector<256x128xf32>
    %reduce_max3A_23 = vector.multi_reduction <maximumf>, %reshape3A_22, %reduce_max3A [2] : vector<256x128x32xf32> to vector<256x128xf32>
    %swap3A = arith.constant 0 : index
    %swap3A_24 = arith.constant 0 : index
    %swap3A_25 = arith.constant 0 : index
    %swap3A_26 = vector.load %arg6[%swap3A, %swap3A_24, %swap3A_25] : memref<1x256x128xf32, #tpu.memory_space<vmem>>, vector<1x256x128xf32>
    %swap3A_27 = vector.shape_cast %swap3A_26 : vector<1x256x128xf32> to vector<256x128xf32>
    %swap3A_28 = vector.shape_cast %reduce_max3A_23 : vector<256x128xf32> to vector<1x256x128xf32>
    tpu.vector_store %arg6[%swap3A, %swap3A_24, %swap3A_25], %swap3A_28 {strides = array<i32>} : memref<1x256x128xf32, #tpu.memory_space<vmem>>, vector<1x256x128xf32>,
    %reduce_sum3A = arith.constant dense<0.000000e+00> : vector<256xf32>
    %reduce_sum3A_29 = vector.multi_reduction <add>, %add3A, %reduce_sum3A [1] : vector<256x4096xf32> to vector<256xf32>
    %swap3A_30 = arith.constant 0 : index
    %swap3A_31 = arith.constant 0 : index
    %swap3A_32 = arith.constant 0 : index
    %swap3A_33 = arith.constant 0 : index
    %swap3A_34 = vector.load %arg7[%swap3A_30, %swap3A_31, %swap3A_32, %swap3A_33] : memref<1x1x1x256xf32, #tpu.memory_space<vmem>>, vector<1x1x1x256xf32>
    %swap3A_35 = vector.shape_cast %swap3A_34 : vector<1x1x1x256xf32> to vector<256xf32>
    %swap3A_36 = vector.shape_cast %reduce_sum3A_29 : vector<256xf32> to vector<1x1x1x256xf32>
    tpu.vector_store %arg7[%swap3A_30, %swap3A_31, %swap3A_32, %swap3A_33], %swap3A_36 {strides = array<i32>} : memref<1x1x1x256xf32, #tpu.memory_space<vmem>>, vector<1x1x1x256xf32>,
    %mul3A = arith.mulf %add3A, %add3A : vector<256x4096xf32>
    %reduce_sum3A_37 = arith.constant dense<0.000000e+00> : vector<256xf32>
    %reduce_sum3A_38 = vector.multi_reduction <add>, %mul3A, %reduce_sum3A_37 [1] : vector<256x4096xf32> to vector<256xf32>
    %swap3A_39 = arith.constant 0 : index
    %swap3A_40 = arith.constant 0 : index
    %swap3A_41 = arith.constant 0 : index
    %swap3A_42 = arith.constant 0 : index
    %swap3A_43 = vector.load %arg8[%swap3A_39, %swap3A_40, %swap3A_41, %swap3A_42] : memref<1x1x1x256xf32, #tpu.memory_space<vmem>>, vector<1x1x1x256xf32>
    %swap3A_44 = vector.shape_cast %swap3A_43 : vector<1x1x1x256xf32> to vector<256xf32>
    %swap3A_45 = vector.shape_cast %reduce_sum3A_38 : vector<256xf32> to vector<1x1x1x256xf32>
    tpu.vector_store %arg8[%swap3A_39, %swap3A_40, %swap3A_41, %swap3A_42], %swap3A_45 {strides = array<i32>} : memref<1x1x1x256xf32, #tpu.memory_space<vmem>>, vector<1x1x1x256xf32>,
    return
  }
  func.func @transform_0(%arg0: i32, %arg1: i32) -> (i32, i32) {
    %c0_i32 = arith.constant 0 : i32
    %c0_i32_0 = arith.constant 0 : i32
    %c0_i32_1 = arith.constant 0 : i32
    return %c0_i32, %c0_i32_0 : i32, i32
  }
  func.func @transform_1(%arg0: i32, %arg1: i32) -> (i32, i32) {
    %c0_i32 = arith.constant 0 : i32
    %c0_i32_0 = arith.constant 0 : i32
    %c0_i32_1 = arith.constant 0 : i32
    return %c0_i32, %c0_i32_0 : i32, i32
  }
  func.func @transform_2(%arg0: i32, %arg1: i32) -> (i32, i32, i32) {
    %c0_i32 = arith.constant 0 : i32
    %c0_i32_0 = arith.constant 0 : i32
    return %arg0, %arg1, %c0_i32 : i32, i32, i32
  }
  func.func @transform_3(%arg0: i32, %arg1: i32) -> (i32, i32, i32) {
    %c0_i32 = arith.constant 0 : i32
    %c0_i32_0 = arith.constant 0 : i32
    return %arg0, %c0_i32, %arg1 : i32, i32, i32
  }
  func.func @transform_4(%arg0: i32, %arg1: i32) -> (i32, i32, i32) {
    %c0_i32 = arith.constant 0 : i32
    %c0_i32_0 = arith.constant 0 : i32
    return %arg0, %c0_i32, %arg1 : i32, i32, i32
  }
  func.func @transform_5(%arg0: i32, %arg1: i32) -> (i32, i32, i32, i32) {
    %c0_i32 = arith.constant 0 : i32
    %c0_i32_0 = arith.constant 0 : i32
    %c0_i32_1 = arith.constant 0 : i32
    return %arg0, %arg1, %c0_i32, %c0_i32_0 : i32, i32, i32, i32
  }
  func.func @transform_6(%arg0: i32, %arg1: i32) -> (i32, i32, i32, i32) {
    %c0_i32 = arith.constant 0 : i32
    %c0_i32_0 = arith.constant 0 : i32
    %c0_i32_1 = arith.constant 0 : i32
    return %arg0, %arg1, %c0_i32, %c0_i32_0 : i32, i32, i32, i32
  }
}

module attributes {stable_mosaic.version = 14 : i64} {
  func.func @_tail_kernel(%arg0: i32, %arg1: memref<1x480x1024xf32, #tpu.memory_space<vmem>>, %arg2: memref<128x480xf32, #tpu.memory_space<vmem>>, %arg3: memref<128x128xf32, #tpu.memory_space<vmem>>, %arg4: memref<128xf32, #tpu.memory_space<vmem>>, %arg5: memref<128x128xf32, #tpu.memory_space<vmem>>, %arg6: memref<128xf32, #tpu.memory_space<vmem>>, %arg7: memref<1x1x128xf32, #tpu.memory_space<vmem>>) attributes {dimension_semantics = [#tpu.dimension_semantics<arbitrary>], iteration_bounds = array<i64: 4>, scalar_prefetch = 0 : i64, scratch_operands = 0 : i64, tpu.core_type = #tpu.core_type<tc>, window_params = [{transform_indices = @transform_0, window_bounds = array<i64: 1, 480, 1024>}, {pipeline_mode = #tpu.pipeline_mode<synchronous>, transform_indices = @transform_1, window_bounds = array<i64: 128, 480>}, {pipeline_mode = #tpu.pipeline_mode<synchronous>, transform_indices = @transform_2, window_bounds = array<i64: 128, 128>}, {pipeline_mode = #tpu.pipeline_mode<synchronous>, transform_indices = @transform_3, window_bounds = array<i64: 128>}, {pipeline_mode = #tpu.pipeline_mode<synchronous>, transform_indices = @transform_4, window_bounds = array<i64: 128, 128>}, {pipeline_mode = #tpu.pipeline_mode<synchronous>, transform_indices = @transform_5, window_bounds = array<i64: 128>}, {transform_indices = @transform_6, window_bounds = array<i64: 1, 1, 128>}]} {
    %get3A = arith.constant 0 : index
    %get3A_0 = arith.constant 0 : index
    %get3A_1 = arith.constant 0 : index
    %get3A_2 = vector.load %arg1[%get3A, %get3A_0, %get3A_1] : memref<1x480x1024xf32, #tpu.memory_space<vmem>>, vector<1x480x1024xf32>
    %get3A_3 = vector.shape_cast %get3A_2 : vector<1x480x1024xf32> to vector<480x1024xf32>
    %get3A_4 = arith.constant 0 : index
    %get3A_5 = arith.constant 0 : index
    %get3A_6 = vector.load %arg2[%get3A_4, %get3A_5] : memref<128x480xf32, #tpu.memory_space<vmem>>, vector<128x480xf32>
    %dot_general3A = arith.constant dense<0.000000e+00> : vector<128x1024xf32>
    %dot_general3A_7 = tpu.matmul %get3A_6, %get3A_3, %dot_general3A {dimension_numbers = #tpu.dot_dimension_numbers<[1], [0], [0], [1], [0, 0, 1, 1], [], []>, transpose_lhs_hint = false} : vector<128x480xf32>, vector<480x1024xf32>, vector<128x1024xf32> -> vector<128x1024xf32>
    %reduce_sum3A = arith.constant dense<0.000000e+00> : vector<128xf32>
    %reduce_sum3A_8 = vector.multi_reduction <add>, %dot_general3A_7, %reduce_sum3A [1] : vector<128x1024xf32> to vector<128xf32>
    %broadcast_in_dim3A = vector.shape_cast %reduce_sum3A_8 : vector<128xf32> to vector<128x1xf32>
    %div3A = arith.constant 1.024000e+03 : f32
    %div3A_9 = vector.broadcast %div3A : f32 to vector<128x1xf32>
    %div3A_10 = arith.divf %broadcast_in_dim3A, %div3A_9 : vector<128x1xf32>
    %sub3A = vector.broadcast %div3A_10 : vector<128x1xf32> to vector<128x1024xf32>
    %sub3A_11 = arith.subf %dot_general3A_7, %sub3A : vector<128x1024xf32>
    %integer_pow3A = arith.mulf %sub3A_11, %sub3A_11 : vector<128x1024xf32>
    %reduce_sum3A_12 = arith.constant dense<0.000000e+00> : vector<128xf32>
    %reduce_sum3A_13 = vector.multi_reduction <add>, %integer_pow3A, %reduce_sum3A_12 [1] : vector<128x1024xf32> to vector<128xf32>
    %broadcast_in_dim3A_14 = vector.shape_cast %reduce_sum3A_13 : vector<128xf32> to vector<128x1xf32>
    %div3A_15 = arith.constant 1.024000e+03 : f32
    %div3A_16 = vector.broadcast %div3A_15 : f32 to vector<128x1xf32>
    %div3A_17 = arith.divf %broadcast_in_dim3A_14, %div3A_16 : vector<128x1xf32>
    %sub3A_18 = vector.broadcast %div3A_10 : vector<128x1xf32> to vector<128x1024xf32>
    %sub3A_19 = arith.subf %dot_general3A_7, %sub3A_18 : vector<128x1024xf32>
    %add3A = arith.constant 9.99999974E-6 : f32
    %add3A_20 = vector.broadcast %add3A : f32 to vector<128x1xf32>
    %add3A_21 = arith.addf %div3A_17, %add3A_20 : vector<128x1xf32>
    %sqrt3A = math.sqrt %add3A_21 : vector<128x1xf32>
    %div3A_22 = vector.broadcast %sqrt3A : vector<128x1xf32> to vector<128x1024xf32>
    %div3A_23 = arith.divf %sub3A_19, %div3A_22 : vector<128x1024xf32>
    %ge3A = arith.constant 0.000000e+00 : f32
    %ge3A_24 = vector.broadcast %ge3A : f32 to vector<128x1024xf32>
    %ge3A_25 = arith.cmpf oge, %div3A_23, %ge3A_24 : vector<128x1024xf32>
    %mul3A = arith.constant 2.000000e-01 : f32
    %mul3A_26 = vector.broadcast %mul3A : f32 to vector<128x1024xf32>
    %mul3A_27 = arith.mulf %mul3A_26, %div3A_23 : vector<128x1024xf32>
    %select_n3A = arith.select %ge3A_25, %div3A_23, %mul3A_27 : vector<128x1024xi1>, vector<128x1024xf32>
    %reduce_max3A = arith.constant dense<0xFF800000> : vector<128xf32>
    %reduce_max3A_28 = vector.multi_reduction <maximumf>, %select_n3A, %reduce_max3A [1] : vector<128x1024xf32> to vector<128xf32>
    %broadcast_in_dim3A_29 = vector.shape_cast %reduce_max3A_28 : vector<128xf32> to vector<128x1xf32>
    %get3A_30 = arith.constant 0 : index
    %get3A_31 = arith.constant 0 : index
    %get3A_32 = vector.load %arg3[%get3A_30, %get3A_31] : memref<128x128xf32, #tpu.memory_space<vmem>>, vector<128x128xf32>
    %dot_general3A_33 = arith.constant dense<0.000000e+00> : vector<128x1xf32>
    %dot_general3A_34 = tpu.matmul %get3A_32, %broadcast_in_dim3A_29, %dot_general3A_33 {dimension_numbers = #tpu.dot_dimension_numbers<[1], [0], [0], [1], [0, 0, 1, 1], [], []>, transpose_lhs_hint = false} : vector<128x128xf32>, vector<128x1xf32>, vector<128x1xf32> -> vector<128x1xf32>
    %get3A_35 = arith.constant 0 : index
    %get3A_36 = vector.load %arg4[%get3A_35] : memref<128xf32, #tpu.memory_space<vmem>>, vector<128xf32>
    %reshape3A = vector.shape_cast %get3A_36 : vector<128xf32> to vector<128x1xf32>
    %add3A_37 = arith.addf %dot_general3A_34, %reshape3A : vector<128x1xf32>
    %reduce_sum3A_38 = vector.shape_cast %add3A_37 : vector<128x1xf32> to vector<1x128x1xf32>
    %reduce_sum3A_39 = arith.constant dense<0.000000e+00> : vector<1xf32>
    %reduce_sum3A_40 = vector.multi_reduction <add>, %reduce_sum3A_38, %reduce_sum3A_39 [1, 2] : vector<1x128x1xf32> to vector<1xf32>
    %reduce_sum3A_41 = vector.shape_cast %reduce_sum3A_40 : vector<1xf32> to vector<1x1x1xf32>
    %reduce_sum3A_42 = vector.extract %reduce_sum3A_41[0, 0, 0] : f32 from vector<1x1x1xf32>
    %div3A_43 = arith.constant 1.280000e+02 : f32
    %div3A_44 = arith.divf %reduce_sum3A_42, %div3A_43 : f32
    %sub3A_45 = vector.broadcast %div3A_44 : f32 to vector<128x1xf32>
    %sub3A_46 = arith.subf %add3A_37, %sub3A_45 : vector<128x1xf32>
    %integer_pow3A_47 = arith.mulf %sub3A_46, %sub3A_46 : vector<128x1xf32>
    %reduce_sum3A_48 = vector.shape_cast %integer_pow3A_47 : vector<128x1xf32> to vector<1x128x1xf32>
    %reduce_sum3A_49 = arith.constant dense<0.000000e+00> : vector<1xf32>
    %reduce_sum3A_50 = vector.multi_reduction <add>, %reduce_sum3A_48, %reduce_sum3A_49 [1, 2] : vector<1x128x1xf32> to vector<1xf32>
    %reduce_sum3A_51 = vector.shape_cast %reduce_sum3A_50 : vector<1xf32> to vector<1x1x1xf32>
    %reduce_sum3A_52 = vector.extract %reduce_sum3A_51[0, 0, 0] : f32 from vector<1x1x1xf32>
    %div3A_53 = arith.constant 1.280000e+02 : f32
    %div3A_54 = arith.divf %reduce_sum3A_52, %div3A_53 : f32
    %sub3A_55 = vector.broadcast %div3A_44 : f32 to vector<128x1xf32>
    %sub3A_56 = arith.subf %add3A_37, %sub3A_55 : vector<128x1xf32>
    %add3A_57 = arith.constant 9.99999974E-6 : f32
    %add3A_58 = arith.addf %div3A_54, %add3A_57 : f32
    %sqrt3A_59 = math.sqrt %add3A_58 : f32
    %div3A_60 = vector.broadcast %sqrt3A_59 : f32 to vector<128x1xf32>
    %div3A_61 = arith.divf %sub3A_56, %div3A_60 : vector<128x1xf32>
    %ge3A_62 = arith.constant 0.000000e+00 : f32
    %ge3A_63 = vector.broadcast %ge3A_62 : f32 to vector<128x1xf32>
    %ge3A_64 = arith.cmpf oge, %div3A_61, %ge3A_63 : vector<128x1xf32>
    %mul3A_65 = arith.constant 2.000000e-01 : f32
    %mul3A_66 = vector.broadcast %mul3A_65 : f32 to vector<128x1xf32>
    %mul3A_67 = arith.mulf %mul3A_66, %div3A_61 : vector<128x1xf32>
    %select_n3A_68 = arith.select %ge3A_64, %div3A_61, %mul3A_67 : vector<128x1xi1>, vector<128x1xf32>
    %get3A_69 = arith.constant 0 : index
    %get3A_70 = arith.constant 0 : index
    %get3A_71 = vector.load %arg5[%get3A_69, %get3A_70] : memref<128x128xf32, #tpu.memory_space<vmem>>, vector<128x128xf32>
    %dot_general3A_72 = arith.constant dense<0.000000e+00> : vector<128x1xf32>
    %dot_general3A_73 = tpu.matmul %get3A_71, %select_n3A_68, %dot_general3A_72 {dimension_numbers = #tpu.dot_dimension_numbers<[1], [0], [0], [1], [0, 0, 1, 1], [], []>, transpose_lhs_hint = false} : vector<128x128xf32>, vector<128x1xf32>, vector<128x1xf32> -> vector<128x1xf32>
    %get3A_74 = arith.constant 0 : index
    %get3A_75 = vector.load %arg6[%get3A_74] : memref<128xf32, #tpu.memory_space<vmem>>, vector<128xf32>
    %reshape3A_76 = vector.shape_cast %get3A_75 : vector<128xf32> to vector<128x1xf32>
    %add3A_77 = arith.addf %dot_general3A_73, %reshape3A_76 : vector<128x1xf32>
    %reshape3A_78 = vector.shape_cast %add3A_77 : vector<128x1xf32> to vector<1x1x128xf32>
    %swap3A = arith.constant 0 : index
    %swap3A_79 = arith.constant 0 : index
    %swap3A_80 = arith.constant 0 : index
    %swap3A_81 = vector.load %arg7[%swap3A, %swap3A_79, %swap3A_80] : memref<1x1x128xf32, #tpu.memory_space<vmem>>, vector<1x1x128xf32>
    tpu.vector_store %arg7[%swap3A, %swap3A_79, %swap3A_80], %reshape3A_78 {strides = array<i32>} : memref<1x1x128xf32, #tpu.memory_space<vmem>>, vector<1x1x128xf32>,
    return
  }
  func.func @transform_0(%arg0: i32) -> (i32, i32, i32) {
    %c0_i32 = arith.constant 0 : i32
    %c0_i32_0 = arith.constant 0 : i32
    %c0_i32_1 = arith.constant 0 : i32
    return %arg0, %c0_i32, %c0_i32_0 : i32, i32, i32
  }
  func.func @transform_1(%arg0: i32) -> (i32, i32) {
    %c0_i32 = arith.constant 0 : i32
    %c0_i32_0 = arith.constant 0 : i32
    %c0_i32_1 = arith.constant 0 : i32
    return %c0_i32, %c0_i32_0 : i32, i32
  }
  func.func @transform_2(%arg0: i32) -> (i32, i32) {
    %c0_i32 = arith.constant 0 : i32
    %c0_i32_0 = arith.constant 0 : i32
    %c0_i32_1 = arith.constant 0 : i32
    return %c0_i32, %c0_i32_0 : i32, i32
  }
  func.func @transform_3(%arg0: i32) -> i32 {
    %c0_i32 = arith.constant 0 : i32
    %c0_i32_0 = arith.constant 0 : i32
    return %c0_i32 : i32
  }
  func.func @transform_4(%arg0: i32) -> (i32, i32) {
    %c0_i32 = arith.constant 0 : i32
    %c0_i32_0 = arith.constant 0 : i32
    %c0_i32_1 = arith.constant 0 : i32
    return %c0_i32, %c0_i32_0 : i32, i32
  }
  func.func @transform_5(%arg0: i32) -> i32 {
    %c0_i32 = arith.constant 0 : i32
    %c0_i32_0 = arith.constant 0 : i32
    return %c0_i32 : i32
  }
  func.func @transform_6(%arg0: i32) -> (i32, i32, i32) {
    %c0_i32 = arith.constant 0 : i32
    %c0_i32_0 = arith.constant 0 : i32
    %c0_i32_1 = arith.constant 0 : i32
    return %arg0, %c0_i32, %c0_i32_0 : i32, i32, i32
  }
}

</mosaic_0001>

<sc_bundles>
// kernel: kernel.12.cloned.1.call-start
scs
__scs_entry_jumppad:
0x0: {  	(pc) =	sbr.rel $0x88, $3  }
0x1: {  	(tag) =	ssettag $0x0;
	lr =	simm.s32 $0x1  }
0x2: {  	[smem:$0x3F97] =	sst lr;
	_ =	strace $0xD0000000  }
0x3: {  	_ = 	snop  }
0x4: {  	_ = 	snop  }
0x5: {  	_ = 	snop  }
0x6: {  	_ = 	snop  }
0x7: {  	_ = 	snop  }
__scs_overlays_trampoline_lowered:
0x8: {  	[smem:$0x3FA6] =	sst s0  }
0x9: {  	[smem:$0x3FA7] =	sst s1  }
0xa: {  	[smem:$0x3FA8] =	sst s2  }
0xb: {  	[smem:$0x3FA9] =	sst s3  }
0xc: {  	[smem:$0x3FAA] =	sst s4  }
0xd: {  	[smem:$0x3FAB] =	sst s5  }
0xe: {  	[smem:$0x3FAC] =	sst s6  }
0xf: {  	[smem:$0x3FAD] =	sst s7  }
0x10: {  	[smem:$0x3FAE] =	sst s8  }
0x11: {  	[smem:$0x3FAF] =	sst s9;
	s0 =	simm.s32 @!p0 $0x0  }
0x12: {  	s1 =	sld [smem:$0x3F95];
	s0 =	simm.s32 @p0 $0x1  }
0x13: {  	[smem:$0x3FB0] =	sst s0;
	s0 =	simm.s32 @!p1 $0x0  }
0x14: {  	s2 =	sld [smem:$0x3F94];
	s0 =	simm.s32 @p1 $0x1  }
0x15: {  	[smem:$0x3FB1] =	sst s0;
	s0 =	simm.s32 @!p2 $0x0  }
0x16: {  	s3 =	sld [smem:$0x3FDB];
	s0 =	simm.s32 @p2 $0x1  }
0x17: {  	s4 =	simm.s32 $0x1BF5;
	[smem:$0x3FB3] =	sst s0  }
0x18: {  	s0 =	sld [smem:$0x3F96];
	_ =	swait.ge [sflag:s4], $0x0  }
0x19: {  	s7 =	sld [smem:$0x3F97]  }
0x1a: {  	s8 =	sadd.s32 $0xFFFFE003, lr  }
0x1b: {  	s9 =	sadd.s32 $0xFFFFFEF7, lr;
	s5 =	simm.s32 $0xFFFFFFFF;
	p2 =	slt.u32 s8, $0xFFFFF086  }
0x1c: {  	p1 =	slt.u32 s9, $0xF7A;
	s5 =	simm.s32 @!p2 $0x0  }
0x1d: {  	s5 =	simm.s32 @p1 $0x1;
	p0 =	seq.s32 s7, s2  }
0x1e: {  	s7 =	smul.u32 @!p0 $0xF7A, s2;
	p2 =	seq.s32 @!p0 s5, $0x0  }
0x1f: {  	s9 =	smul.u32 $0xF7A, s1;
	s8 =	simm.s32 @!p0 $0x1BF5;
	p2 =	por !p2, p0  }
0x20: {  	[sflag:s8] =	ssyncset.s32 @!p0 $0xFFFFF086;
	s6 =	sadd.s32 @!p0 s3, s7;
	s7 =	simm.s32 @!p0 $0x108  }
0x21: {  	s3 =	sadd.s32 s3, s9;
	s6 =	sadd.s32 @!p0 $0x88, s6;
	s7 =	simm.s32 @p2 $0x1082  }
0x22: {  	[simem:s7], [sflag:s8] =	dma.local @!p0 [hbm:s6], $0xF7A  }
0x23: {  	s9 =	sor.u32 $0xD0000000, s2;
	s6 =	simm.s32 $0x108;
	_ =	swait.ge @!p0 [sflag:s8], $0x0  }
0x24: {  	s3 =	sadd.s32 $0x88, s3;
	s6 =	simm.s32 @!p1 $0x1082;
	[sflag:s4] =	ssyncset.s32 $0xFFFFF086  }
0x25: {  	[simem:s6], [sflag:s4] =	dma.local [hbm:s3], $0xF7A  }
0x26: {  	[smem:$0x3F97] =	sst s1;
	(tag) =	ssettag s2;
	_ =	strace s9  }
0x27: {  	s1 =	sld [smem:$0x3FA7]  }
0x28: {  	s2 =	sld [smem:$0x3FA8]  }
0x29: {  	s4 =	sld [smem:$0x3FAA]  }
0x2a: {  	p0 =	seq.s32 s5, $0x0;
	s5 =	sld [smem:$0x3FAB]  }
0x2b: {  	s6 =	sld [smem:$0x3FAC]  }
0x2c: {  	s7 =	sld [smem:$0x3FAD]  }
0x2d: {  	s3 =	simm.s32 $0x108;
	s8 =	sld [smem:$0x3FAE]  }
0x2e: {  	s3 =	simm.s32 @!p0 $0x1082;
	s9 =	sld [smem:$0x3FAF]  }
0x2f: {  	lr =	sadd.s32 s0, s3;
	s0 =	sld [smem:$0x3FA6]  }
0x30: {  	s3 =	sld [smem:$0x3FA9]  }
0x31: {  	[smem:$0x3FB2] =	sst s10  }
0x32: {  	s10 =	sld [smem:$0x3FB0];
	_ =	sdelay $0x3  }
0x33: {  	p0 =	seq.s32 s10, $0x1;
	s10 =	sld [smem:$0x3FB2];
	_ =	sdelay $0x3  }
0x34: {  	[smem:$0x3FB2] =	sst s10  }
0x35: {  	s10 =	sld [smem:$0x3FB1];
	_ =	sdelay $0x3  }
0x36: {  	p1 =	seq.s32 s10, $0x1;
	s10 =	sld [smem:$0x3FB2];
	_ =	sdelay $0x3  }
0x37: {  	[smem:$0x3FB2] =	sst s10  }
0x38: {  	s10 =	sld [smem:$0x3FB3]  }
0x39: {  	_ = 	snop;
	(pc) =	sbr.ind lr, $3  }
0x3a: {  	_ = 	snop  }
0x3b: {  	_ = 	snop  }
0x3c: {  	p2 =	seq.s32 s10, $0x1;
	s10 =	sld [smem:$0x3FB2]  }
0x3d: {  	_ =	shalt  }
0x3e: {  	_ =	shalt  }
0x3f: {  	_ =	shalt  }
0x40: {  	_ =	shalt  }
0x41: {  	_ =	shalt  }
0x42: {  	_ =	shalt  }
0x43: {  	_ =	shalt  }
0x44: {  	_ =	shalt  }
0x45: {  	_ =	shalt  }
0x46: {  	_ =	shalt  }
0x47: {  	_ =	shalt  }
0x48: {  	_ =	shalt  }
0x49: {  	_ =	shalt  }
0x4a: {  	_ =	shalt  }
0x4b: {  	_ =	shalt  }
0x4c: {  	_ =	shalt  }
0x4d: {  	_ =	shalt  }
0x4e: {  	_ =	shalt  }
0x4f: {  	_ =	shalt  }
0x50: {  	_ =	shalt  }
0x51: {  	_ =	shalt  }
0x52: {  	_ =	shalt  }
0x53: {  	_ =	shalt  }
0x54: {  	_ =	shalt  }
0x55: {  	_ =	shalt  }
0x56: {  	_ =	shalt  }
0x57: {  	_ =	shalt  }
0x58: {  	_ =	shalt  }
0x59: {  	_ =	shalt  }
0x5a: {  	_ =	shalt  }
0x5b: {  	_ =	shalt  }
0x5c: {  	_ =	shalt  }
0x5d: {  	_ =	shalt  }
0x5e: {  	_ =	shalt  }
0x5f: {  	_ =	shalt  }
0x60: {  	_ =	shalt  }
0x61: {  	_ =	shalt  }
0x62: {  	_ =	shalt  }
0x63: {  	_ =	shalt  }
0x64: {  	_ =	shalt  }
0x65: {  	_ =	shalt  }
0x66: {  	_ =	shalt  }
0x67: {  	_ =	shalt  }
0x68: {  	_ =	shalt  }
0x69: {  	_ =	shalt  }
0x6a: {  	_ =	shalt  }
0x6b: {  	_ =	shalt  }
0x6c: {  	_ =	shalt  }
0x6d: {  	_ =	shalt  }
0x6e: {  	_ =	shalt  }
0x6f: {  	_ =	shalt  }
0x70: {  	_ =	shalt  }
0x71: {  	_ =	shalt  }
0x72: {  	_ =	shalt  }
0x73: {  	_ =	shalt  }
0x74: {  	_ =	shalt  }
0x75: {  	_ =	shalt  }
0x76: {  	_ =	shalt  }
0x77: {  	_ =	shalt  }
0x78: {  	_ =	shalt  }
0x79: {  	_ =	shalt  }
0x7a: {  	_ =	shalt  }
0x7b: {  	_ =	shalt  }
0x7c: {  	_ =	shalt  }
0x7d: {  	_ =	shalt  }
0x7e: {  	_ =	shalt  }
0x7f: {  	_ =	shalt  }
0x80: {  	_ =	shalt  }
0x81: {  	_ =	shalt  }
0x82: {  	_ =	shalt  }
0x83: {  	_ =	shalt  }
0x84: {  	_ =	shalt  }
0x85: {  	_ =	shalt  }
0x86: {  	_ =	shalt  }
0x87: {  	_ =	shalt  }
.Lfunc_end0:
.L_simem_size_0:
called_computation_lowered:
.L_overlay_start_0:
0x88: {  	s2 =	sld [smem:$0x3FD9]  }
0x89: {  	s3 =	sld [smem:$0x3FFE];
	_ =	sdelay $0x1  }
0x8a: {  	s1 =	srdreg.scid  }
0x8b: {  	s0 =	sand.u32 $0x1, s1  }
0x8c: {  	s16 =	sshll.u32 s0, $0xA;
	s2 =	sadd.s32 s3, s2  }
0x8d: {  	s2 =	sadd.s32 s2, s16  }
0x8e: {  	[smem:$0x3FBE] =	sst s2  }
0x8f: {  	_ = 	snop  }
0x90: {  	(tm) =	ssettm $0x1  }
0x91: {  	s17 =	sld [smem:$0x3FFB];
	_ =	sdelay $0x3  }
0x92: {  	_ =	strace s17  }
0x93: {  	s2 =	sld [smem:$0x3FFC];
	_ =	sdelay $0x3  }
0x94: {  	_ =	strace s2  }
0x95: {  	s2 =	sld [smem:$0x3FFD];
	_ =	sdelay $0x3  }
0x96: {  	_ =	strace s2  }
0x97: {  	_ =	strace $0x8FFFFFFF  }
0x98: {  	s18 =	sld [smem:$0x3FDB];
	_ =	sdelay $0x1  }
0x99: {  	s19 =	simm.s32 $_scs_section_size  }
0x9a: {  	s4 =	simm.s32 $_size__tile_overlayer_lowered;
	s5 =	simm.s32 $_tile_overlayer_lowered  }
0x9b: {  	s22 =	simm.s32 $0x1BFF;
	s21 =	sshll.u32 s5, $0x1;
	s2 =	sadd.s32 s19, s18  }
0x9c: {  	s6 =	simm.s32 $0x0;
	s20 =	sshll.u32 s4, $0x1;
	s4 =	sadd.s32 s21, s2  }
0x9d: {  	[timem:s6], [sflag:s22] =	dma.local [hbm:s4], s20  }
0x9e: {  	_ =	swait.ge [sflag:s22], s20  }
0x9f: {  	s3 =	ssub.s32 $0x0, s20;
	[sflag:s22] =	ssyncset.done $0x0  }
0xa0: {  	[sflag:s22] =	ssyncadd.s32 s3;
	_ =	sdelay $0x1  }
0xa1: {  	s23 =	simm.s32 $0x1B8B  }
0xa2: {  	_ =	swait.ge [sflag:s23], $0x1  }
0xa3: {  	[sflag:s23] =	ssyncset.done $0x0  }
0xa4: {  	s25 =	simm.s32 $0x1B8E;
	s24 =	sld [smem:$0x3FFE];
	[sflag:s23] =	ssyncadd.s32 $0xFFFFFFFF  }
0xa5: {  	s26 =	simm.s32 $execute0_lowered;
	[smem:$0x3FD2] =	sst s25  }
0xa6: {  	s4 =	sshll.u32 s26, $0x1;
	_ =	strace $0x80000046;
	[dreg:$0x1] =	wrdreg $0xFFFFFFFF  }
0xa7: {  	s28 =	simm.s32 $_size_execute0_lowered;
	s2 =	sadd.s32 s2, s4;
	[dreg:$0x0] =	wrdreg $0x0  }
0xa8: {  	s4 =	sshll.u32 s28, $0x1;
	[dreg:$0x2] =	wrdreg s2  }
0xa9: {  	[dreg:$0x3] =	wrdreg s4  }
0xaa: {  	[dreg:$0x4] =	wrdreg $0xC0  }
0xab: {  	_ =	task [dreg:s6], $0x5FFFF  }
0xac: {  	[dreg:$0x1] =	wrdreg $0xFFFFFFFF  }
0xad: {  	[dreg:$0x0] =	wrdreg $0x60  }
0xae: {  	[dreg:$0x2] =	wrdreg s24  }
0xaf: {  	[dreg:$0x3] =	wrdreg $0x9  }
0xb0: {  	_ =	task.clear_ibuf [dreg:s6], $0x4FFFF;
	_ =	strace $0x90000046  }
0xb1: {  	s29 =	simm.s32 $0x9;
	_ =	strace $0x80000048  }
0xb2: {  	_ =	swait.ge [sflag:s29], $0x1  }
0xb3: {  	[sflag:s29] =	ssyncadd.s32 $0xFFFFFFFF  }
0xb4: {  	_ =	strace $0x90000048  }
0xb5: {  	_ =	sfence  }
0xb6: {  	s30 =	sld [smem:$0x0];
	_ =	sdelay $0x2  }
0xb7: {  	s31 =	sshll.u32 s1, $0xD;
	s1 =	sshrl.u32 s1, $0x2  }
0xb8: {  	s3 =	sand.u32 $0x4000, s31;
	s1 =	sadd.s32 s1, s30  }
0xb9: {  	s0 =	sor.u32 s3, s0;
	s1 =	sshll.u32 s1, $0x11  }
0xba: {  	s0 =	sor.u32 s1, s0  }
0xbb: {  	s0 =	sadd.s32 $0x8F2B, s0  }
0xbc: {  	[sflag:s0] =	ssyncadd.remote.s32 $0x1  }
0xbd: {  	_ =	sfence.sel $0xFFFF  }
0xbe: {  	[dreg:$0x0] =	wrdreg $0xFFFFFFFF;
	(pc) =	sbr.abs _section_cstart, $3  }
0xbf: {  	[dreg:$0x1] =	wrdreg $0xFFFFFFFF  }
0xc0: {  	_ =	task.clear_ibuf [dreg:s6], $0x2FFFF;
	_ =	strace $0x9FFFFFFF  }
0xc1: {  	(tm) =	ssettm $0x7FFFFFFF  }
tec
execute0_lowered:
.L_overlay_start_1:
0x0: {  	(tag) =	ssettag $0x1  }
0x1: {  	s4 =	rddreg [dreg:$0x0]  }
0x2: {  	s0 =	rddreg [dreg:$0x1];
	s2 =	simm.s32 $0x0;
	s3 =	srdreg.scid  }
0x3: {  	s1 =	stileid.u32;
	s9 =	simm.s32 $0x1;
	s10 =	simm.s32 $0x0  }
0x4: {  	[smem:$0x7FF] =	sst s2;
	s5 =	sand.u32 $0x1, s3;
	s7 =	sshll.u32 s1, $0xC  }
0x5: {  	s3 =	sadd.s32 $0x4000, s4;
	s31 =	sshll.u32 s1, $0x10;
	_ =	strace $0x80000047  }
0x6: {  	s6 =	sshll.u32 s5, $0x10;
	s30 =	ssub.s32 $0x2, s5;
	s5 =	sshll.u32 s5, $0x14  }
0x7: {  	s6 =	sor.u32 s7, s6;
	s8 =	sshrl.u32 s30, $0x1;
	s5 =	sadd.s32 s5, s4  }
0x8: {  	s6 =	sshrl.u32 s6, $0x3;
	s7 =	ssub.s32 s30, s8;
	s5 =	sadd.s32 s31, s5  }
0x9: {  	s8 =	simm.s32 $0x80;
	s6 =	sadd.s32 s6, s4;
	s4 =	smax.u32 s7, $0x1  }
0xa: {  	s5 =	sadd.s32 $0x18000, s5;
	s7 =	simm.s32 $0x2;
	s6 =	sadd.s32 $0x14000, s6  }
.LBB2_1:
0xb: {  	s11 =	sadd.s32 $0x0, s6  }
0xc: {  	[tilespmem:s2], [sflag:$0x2] =	stream.linear.gather [hbm4b:s11+s2], $0x80, $0x38;
	[tilespmem:$0x4080] =	vst v63  }
0xd: {  	_ =	swait.ge [sflag:s7], $0x80  }
0xe: {  	[sflag:s7] =	ssyncset.done $0x0  }
0xf: {  	[sflag:s7] =	ssyncadd.s32 $0xFFFFFF80  }
0x10: {  	[tilespmem:s8], [sflag:$0x1] =	stream.indirect.gather [hbm4b:s3+s8], $0x80, s2, s8, $0xb8;
	[tilespmem:$0x4080] =	vst v63  }
0x11: {  	_ =	swait.ge [sflag:s9], $0x4000  }
0x12: {  	[sflag:s9] =	ssyncset.done $0x0  }
0x13: {  	[sflag:s9] =	ssyncadd.s32 $0xFFFFC000  }
0x14: {  	[hbm4b:s5+s2] =	stream.linear.scatter [tilespmem:s8], [sflag:$0x2], $0x4000, $0x38;
	[tilespmem:$0x4080] =	vst v63  }
0x15: {  	s12 =	simm.s32 $0x10;
	_ =	swait.ge [sflag:s7], $0x4000  }
0x16: {  	s13 =	simm.s32 $0x20;
	s11 =	sadd.s32 $0x800, s5;
	[sflag:s7] =	ssyncset.done $0x0  }
.LBB2_2:
0x17: {  	s14 =	sadd.s32 s12, s6  }
0x18: {  	[sflag:s7] =	ssyncadd.s32 $0xFFFFC000;
	s12 =	smov.u32 s13;
	s15 =	sadd.s32 $0x10, s13  }
0x19: {  	[tilespmem:s2], [sflag:$0x2] =	stream.linear.gather [hbm4b:s14+s2], $0x80, $0x38;
	[tilespmem:$0x4080] =	vst v63  }
0x1a: {  	p0 =	sne.s32 s13, $0x1F0;
	_ =	swait.ge [sflag:s7], $0x80  }
0x1b: {  	[sflag:s7] =	ssyncset.done $0x0  }
0x1c: {  	[sflag:s7] =	ssyncadd.s32 $0xFFFFFF80  }
0x1d: {  	[tilespmem:s8], [sflag:$0x1] =	stream.indirect.gather [hbm4b:s3+s8], $0x80, s2, s8, $0xb8;
	[tilespmem:$0x4080] =	vst v63  }
0x1e: {  	_ =	swait.ge [sflag:s9], $0x4000  }
.Ltmp0:
0x1f: {  	[sflag:s9] =	ssyncset.done $0x0;
	(pc) =	sbr.rel @p0 .LBB2_2-.Ltmp0, $4  }
0x20: {  	[sflag:s9] =	ssyncadd.s32 $0xFFFFC000  }
0x21: {  	[hbm4b:s11+s2] =	stream.linear.scatter [tilespmem:s8], [sflag:$0x2], $0x4000, $0x38;
	[tilespmem:$0x4080] =	vst v63  }
0x22: {  	_ =	swait.ge [sflag:s7], $0x4000  }
0x23: {  	s13 =	smov.u32 s15;
	s11 =	sadd.s32 $0x800, s11;
	[sflag:s7] =	ssyncset.done $0x0  }
0x24: {  	s12 =	sadd.s32 s12, s6;
	[sflag:s7] =	ssyncadd.s32 $0xFFFFC000  }
0x25: {  	[tilespmem:s2], [sflag:$0x2] =	stream.linear.gather [hbm4b:s12+s2], $0x80, $0x38;
	[tilespmem:$0x4080] =	vst v63  }
0x26: {  	_ =	swait.ge [sflag:s7], $0x80  }
0x27: {  	[sflag:s7] =	ssyncset.done $0x0  }
0x28: {  	[sflag:s7] =	ssyncadd.s32 $0xFFFFFF80  }
0x29: {  	[tilespmem:s8], [sflag:$0x1] =	stream.indirect.gather [hbm4b:s3+s8], $0x80, s2, s8, $0xb8;
	[tilespmem:$0x4080] =	vst v63  }
0x2a: {  	s10 =	sadd.s32 $0x1, s10;
	_ =	swait.ge [sflag:s9], $0x4000  }
0x2b: {  	p0 =	sne.s32 s10, s4;
	[sflag:s9] =	ssyncset.done $0x0  }
.Ltmp1:
0x2c: {  	[sflag:s9] =	ssyncadd.s32 $0xFFFFC000;
	(pc) =	sbr.rel @p0 .LBB2_1-.Ltmp1, $4  }
0x2d: {  	[hbm4b:s11+s2] =	stream.linear.scatter [tilespmem:s8], [sflag:$0x2], $0x4000, $0x38;
	[tilespmem:$0x4080] =	vst v63  }
0x2e: {  	_ =	swait.ge [sflag:s7], $0x4000  }
0x2f: {  	[sflag:s7] =	ssyncset.done $0x0  }
0x30: {  	[sflag:s7] =	ssyncadd.s32 $0xFFFFC000  }
0x31: {  	_ =	sfence.sel $0x180000  }
0x32: {  	[bflag:$0x0] =	sbarrier.arrive $0xFFFF  }
0x33: {  	p0 =	sne.s32 s1, $0x0;
	_ =	strace $0x90000047  }
0x34: {  	s0 =	sadd.s32 @!p0 $0x100000, s0;
	[bflag:$0x2] =	sbarrier.arrive $0xFFFF  }
0x35: {  	[sflag:s0] =	ssyncadd.tile.s32 @!p0 $0x1;
	_ =	shalt  }
.Lfunc_end2:
_tile_overlayer_lowered:
.L_overlay_start_2:
0x36: {  	(tag) =	ssettag $0x2  }
0x37: {  	s0 =	rddreg [dreg:$0x0];
	s2 =	stileid.u32  }
0x38: {  	s1 =	rddreg [dreg:$0x1];
	p0 =	sne.s32 s2, $0x0  }
0x39: {  	s3 =	rddreg [dreg:$0x2];
	[bflag:$0x3] =	sbarrier.arrive $0xFFFF;
	s2 =	simm.s32 @!p0 $0x1C02  }
0x3a: {  	[timem:s3], [sflag:s2] =	dma.local @!p0 [hbm:s0], s1  }
0x3b: {  	s0 =	simm.s32 @!p0 $0x2  }
0x3c: {  	_ =	swait.ge @!p0 [sflag:s0], s1  }
0x3d: {  	s1 =	ssub.s32 @!p0 $0x0, s1;
	[sflag:s0] =	ssyncset.done @!p0 $0x0  }
0x3e: {  	[sflag:s0] =	ssyncadd.s32 @!p0 s1  }
0x3f: {  	[bflag:$0x3] =	sbarrier.arrive $0xFFFF  }
0x40: {  	_ =	shalt  }

</sc_bundles>
